<compile_context>
chip_gen: v7x
topology: tpu7x:2x2x1
jax: 0.10.2.dev20260603
libtpu: 0.0.44.dev20260713+nightly
codegen_flags: <defaults>
</compile_context>

<pallas_src>
import functools

import jax
import jax.numpy as jnp
from jax import lax
from jax.experimental import pallas as pl
from jax.experimental.pallas import tpu as pltpu
from jax.experimental.pallas import tpu_sc as plsc

_N = 10000
_E = 320000
_NC, _NS = 2, 16
_NW = _NC * _NS
_EPT = _E // _NW
_CH = 128
_NCHUNK = 78
_SCH = 104
_SNCHUNK = 96
_STAIL = _EPT - _SNCHUNK * _SCH
_NPAD = 10240
_RPT = _NPAD // _NS
_RB = 1024
_GRID = (_N + _RB - 1) // _RB


def _mesh():
    return plsc.VectorSubcoreMesh(
        core_axis_name="c", subcore_axis_name="s",
        num_cores=_NC, num_subcores=_NS)




@functools.lru_cache(maxsize=None)
def _build_sc_deg():
    @functools.partial(
        pl.kernel,
        out_type=jax.ShapeDtypeStruct((8, _NPAD), jnp.float32),
        mesh=_mesh(),
        compiler_params=pltpu.CompilerParams(use_tc_tiling_on_sc=False),
        scratch_types=[
            pltpu.VMEM((_EPT,), jnp.int32),
            pltpu.VMEM((_CH,), jnp.float32),
            pltpu.VMEM_SHARED((_NPAD,), jnp.float32),
        ],
    )
    def _sc_deg(edge_hbm, zeros_hbm, out_hbm, dst_v, ones_v, acc_sh):
        c = lax.axis_index("c")
        s = lax.axis_index("s")
        w = s * _NC + c
        pltpu.sync_copy(zeros_hbm, acc_sh.at[pl.ds(s * _RPT, _RPT)])
        pltpu.sync_copy(edge_hbm.at[1, pl.ds(w * _EPT, _EPT)], dst_v)
        for j in range(_CH // 16):
            ones_v[pl.ds(j * 16, 16)] = jnp.ones((16,), jnp.float32)
        plsc.subcore_barrier()

        def body(i, carry):
            pltpu.sync_copy(ones_v, acc_sh.at[dst_v.at[pl.ds(i * _CH, _CH)]],
                            add=True)
            return carry

        lax.fori_loop(0, _NCHUNK, body, 0)
        tb = _NCHUNK * _CH
        pltpu.sync_copy(ones_v.at[pl.ds(0, _EPT - tb)],
                        acc_sh.at[dst_v.at[pl.ds(tb, _EPT - tb)]], add=True)
        plsc.subcore_barrier()
        pltpu.sync_copy(acc_sh.at[pl.ds(s * _RPT, _RPT)],
                        out_hbm.at[c, pl.ds(s * _RPT, _RPT)])

    return _sc_deg



@functools.lru_cache(maxsize=None)
def _make_sc_scatter(D):
    @functools.partial(
        pl.kernel,
        out_type=jax.ShapeDtypeStruct((_NC, _NPAD, D), jnp.float32),
        mesh=_mesh(),
        compiler_params=pltpu.CompilerParams(use_tc_tiling_on_sc=False),
        scratch_types=[
            pltpu.VMEM((_EPT,), jnp.int32),
            pltpu.VMEM((_EPT,), jnp.int32),
            pltpu.VMEM((_SCH, D), jnp.float32),
            pltpu.VMEM((_SCH, D), jnp.float32),
            pltpu.VMEM((_STAIL, D), jnp.float32),
            pltpu.VMEM_SHARED((_NPAD, D), jnp.float32),
            pltpu.SemaphoreType.DMA,
            pltpu.SemaphoreType.DMA,
            pltpu.SemaphoreType.DMA,
            pltpu.SemaphoreType.DMA,
        ],
    )
    def sc_scatter(table_hbm, edge_hbm, zeros_hbm, out_hbm,
                   src_v, dst_v, rows0, rows1, rowst, acc_sh,
                   sem0, sem1, semt, semz):
        c = lax.axis_index("c")
        s = lax.axis_index("s")
        w = s * _NC + c
        pltpu.async_copy(zeros_hbm, acc_sh.at[pl.ds(s * _RPT, _RPT)], semz)
        pltpu.sync_copy(edge_hbm.at[0, pl.ds(w * _EPT, _EPT)], src_v)
        pltpu.sync_copy(edge_hbm.at[1, pl.ds(w * _EPT, _EPT)], dst_v)

        def gstart(i, buf, sem):
            pltpu.async_copy(
                table_hbm.at[src_v.at[pl.ds(i * _SCH, _SCH)]], buf, sem)

        def gwait(i, buf, sem):
            pltpu.make_async_copy(
                table_hbm.at[src_v.at[pl.ds(i * _SCH, _SCH)]], buf, sem).wait()

        def scat(i, buf):
            pltpu.sync_copy(
                buf, acc_sh.at[dst_v.at[pl.ds(i * _SCH, _SCH)]], add=True)

        tbase = _SNCHUNK * _SCH
        gstart(0, rows0, sem0)
        gstart(1, rows1, sem1)
        pltpu.async_copy(
            table_hbm.at[src_v.at[pl.ds(tbase, _STAIL)]], rowst, semt)
        pltpu.make_async_copy(
            zeros_hbm, acc_sh.at[pl.ds(s * _RPT, _RPT)], semz).wait()
        plsc.subcore_barrier()

        def body(j, carry):
            i0 = 2 * j
            gwait(i0, rows0, sem0)
            scat(i0, rows0)
            gstart(i0 + 2, rows0, sem0)
            gwait(i0 + 1, rows1, sem1)
            scat(i0 + 1, rows1)
            gstart(i0 + 3, rows1, sem1)
            return carry

        lax.fori_loop(0, _SNCHUNK // 2 - 1, body, 0)
        i0 = _SNCHUNK - 2
        gwait(i0, rows0, sem0)
        scat(i0, rows0)
        gwait(i0 + 1, rows1, sem1)
        scat(i0 + 1, rows1)
        pltpu.make_async_copy(
            table_hbm.at[src_v.at[pl.ds(tbase, _STAIL)]], rowst, semt).wait()
        pltpu.sync_copy(rowst, acc_sh.at[dst_v.at[pl.ds(tbase, _STAIL)]],
                        add=True)
        plsc.subcore_barrier()
        pltpu.sync_copy(acc_sh.at[pl.ds(s * _RPT, _RPT)],
                        out_hbm.at[c, pl.ds(s * _RPT, _RPT)])

    return sc_scatter



def _dinv_of(deg8_ref):
    t = jnp.transpose(deg8_ref[...], (1, 0))
    return lax.rsqrt(t[:, 0:1] + t[:, 1:2] + 1.0)


_DEG8_SPEC = pl.BlockSpec((8, _RB), lambda i: (0, i))


def _tck0_body(x_ref, w_ref, hw_ref):
    hw_ref[...] = jnp.dot(x_ref[...], w_ref[...],
                          preferred_element_type=jnp.float32)


_tck0 = pl.pallas_call(
    _tck0_body,
    grid=(_GRID,),
    in_specs=[
        pl.BlockSpec((_RB, 128), lambda i: (i, 0)),
        pl.BlockSpec((128, 128), lambda i: (0, 0)),
    ],
    out_specs=pl.BlockSpec((_RB, 128), lambda i: (i, 0)),
    out_shape=jax.ShapeDtypeStruct((_N, 128), jnp.float32),
)


def _tck1_body(deg8_ref, hw_ref, hws_ref):
    hws_ref[...] = hw_ref[...] * _dinv_of(deg8_ref)


_tck1 = pl.pallas_call(
    _tck1_body,
    grid=(_GRID,),
    in_specs=[
        _DEG8_SPEC,
        pl.BlockSpec((_RB, 128), lambda i: (i, 0)),
    ],
    out_specs=pl.BlockSpec((_RB, 128), lambda i: (i, 0)),
    out_shape=jax.ShapeDtypeStruct((_N, 128), jnp.float32),
)


def _make_combine_matmul(dout, relu):
    def body(p_ref, hws_ref, b_ref, deg8_ref, w_ref, h_ref, hwsn_ref):
        dinv = _dinv_of(deg8_ref)
        agg = p_ref[0] + p_ref[1] + hws_ref[...]
        h = dinv * agg + b_ref[...]
        if relu:
            h = jnp.maximum(h, 0.0)
        h_ref[...] = h
        hwsn_ref[...] = jnp.dot(
            h, w_ref[...], preferred_element_type=jnp.float32) * dinv

    return pl.pallas_call(
        body,
        grid=(_GRID,),
        in_specs=[
            pl.BlockSpec((2, _RB, 128), lambda i: (0, i, 0)),
            pl.BlockSpec((_RB, 128), lambda i: (i, 0)),
            pl.BlockSpec((1, 128), lambda i: (0, 0)),
            _DEG8_SPEC,
            pl.BlockSpec((128, dout), lambda i: (0, 0)),
        ],
        out_specs=[
            pl.BlockSpec((_RB, 128), lambda i: (i, 0)),
            pl.BlockSpec((_RB, dout), lambda i: (i, 0)),
        ],
        out_shape=[
            jax.ShapeDtypeStruct((_N, 128), jnp.float32),
            jax.ShapeDtypeStruct((_N, dout), jnp.float32),
        ],
    )


_tck2 = _make_combine_matmul(128, relu=True)
_tck3 = _make_combine_matmul(16, relu=False)


def _tck4_body(p_ref, hwc_ref, bc_ref, deg8_ref, o_ref):
    agg = p_ref[0] + p_ref[1] + hwc_ref[...]
    o_ref[...] = _dinv_of(deg8_ref) * agg + bc_ref[...]


_tck4 = pl.pallas_call(
    _tck4_body,
    grid=(_GRID,),
    in_specs=[
        pl.BlockSpec((2, _RB, 16), lambda i: (0, i, 0)),
        pl.BlockSpec((_RB, 16), lambda i: (i, 0)),
        pl.BlockSpec((1, 16), lambda i: (0, 0)),
        _DEG8_SPEC,
    ],
    out_specs=pl.BlockSpec((_RB, 16), lambda i: (i, 0)),
    out_shape=jax.ShapeDtypeStruct((_N, 16), jnp.float32),
)


def kernel(x, edge_index, W1, b1, W2, b2, Wc, bc):
    z128 = jnp.zeros((_RPT, 128), jnp.float32)
    z16 = jnp.zeros((_RPT, 16), jnp.float32)
    zdeg = jnp.zeros((_RPT,), jnp.float32)

    sc_deg = _build_sc_deg()
    sc_scatter128 = _make_sc_scatter(128)
    sc_scatter16 = _make_sc_scatter(16)

    hw1 = _tck0(x, W1)
    deg8 = sc_deg(edge_index, zdeg)

    hws1 = _tck1(deg8, hw1)
    p1 = sc_scatter128(hws1, edge_index, z128)
    h1, hws2 = _tck2(p1, hws1, b1.reshape(1, 128), deg8, W2)
    p2 = sc_scatter128(hws2, edge_index, z128)
    h2, hwc = _tck3(p2, hws2, b2.reshape(1, 128), deg8, Wc)
    pc = sc_scatter16(hwc, edge_index, z16)
    out = _tck4(pc, hwc, bc.reshape(1, 16), deg8)
    return (out, h1, h2)

# --- scband reference (transcript-rebuilt; emitter-appended) ---
"""Pipeline reference for scband-cwgcnbase-26963804685185 (READ-ONLY COPY).

The authoritative reference and input builder live on the scoring server;
editing this copy changes nothing except your own understanding.
"""

import jax, jax.numpy as jnp
import numpy as np

N = 10000
E = 320000
IN_DIM = 128
HID = 128
C = 16


def setup_inputs(seed: int = 0) -> dict:
    key = jax.random.key(seed)
    ks = jax.random.split(key, 8)
    x = jax.random.normal(ks[0], (N, IN_DIM), dtype=jnp.float32)
    edge_index = jax.random.randint(ks[1], (2, E), 0, N, dtype=jnp.int32)
    W1 = jax.random.normal(ks[2], (IN_DIM, HID), dtype=jnp.float32) * (1.0 / np.sqrt(IN_DIM))
    b1 = jnp.zeros((HID,), dtype=jnp.float32)
    W2 = jax.random.normal(ks[3], (HID, HID), dtype=jnp.float32) * (1.0 / np.sqrt(HID))
    b2 = jnp.zeros((HID,), dtype=jnp.float32)
    Wc = jax.random.normal(ks[4], (HID, C), dtype=jnp.float32) * (1.0 / np.sqrt(HID))
    bc = jnp.zeros((C,), dtype=jnp.float32)
    return {"x": x, "edge_index": edge_index, "W1": W1, "b1": b1, "W2": W2, "b2": b2, "Wc": Wc, "bc": bc}


def _gcn_conv(h, src, dst, W, b, num_nodes):
    # PyG GCNConv: add self-loops, symmetric normalization D^-1/2 (A+I) D^-1/2 X W + b
    loop = jnp.arange(num_nodes, dtype=src.dtype)
    s = jnp.concatenate([src, loop])
    d = jnp.concatenate([dst, loop])
    deg = jnp.zeros((num_nodes,), dtype=h.dtype).at[d].add(1.0)
    dinv = jnp.where(deg > 0, deg ** -0.5, 0.0)
    norm = dinv[s] * dinv[d]
    hw = h @ W
    msg = hw[s] * norm[:, None]
    out = jnp.zeros_like(hw).at[d].add(msg)
    return out + b


def reference(x, edge_index, W1, b1, W2, b2, Wc, bc):
    src = edge_index[0]
    dst = edge_index[1]
    # feat_bottleneck (num_layers=2): conv1 -> relu -> dropout(eval=identity), conv2 (no act on last)
    h1 = _gcn_conv(x, src, dst, W1, b1, N)
    h1 = jax.nn.relu(h1)  # dropout is identity at inference
    h2 = _gcn_conv(h1, src, dst, W2, b2, N)
    # feat_classifier: GCNConv to num_classes
    out = _gcn_conv(h2, src, dst, Wc, bc, N)
    # returns (x, x_list) where x_list = [h1_after_act, h2]
    return (out, h1, h2)

if __name__ == "__main__":
    import jax
    _d = setup_inputs()
    print(jax.jit(kernel)(*tuple(_d.values())))

</pallas_src>

<mosaic_0001>
#map = affine_map<(d0, d1) -> (0, 0)>
#map1 = affine_map<(d0, d1) -> (0, 0, 0)>
module attributes {stable_mosaic.version = 14 : i64} {
  func.func @sc_scatter(%arg0: i32, %arg1: i32, %arg2: memref<10000x128xf32, #tpu.memory_space<hbm>>, %arg3: memref<2x320000xi32, #tpu.memory_space<hbm>>, %arg4: memref<640x128xf32, #tpu.memory_space<hbm>>, %arg5: memref<2x10240x128xf32, #tpu.memory_space<hbm>>, %arg6: memref<10000xi32, #tpu.memory_space<vmem>>, %arg7: memref<10000xi32, #tpu.memory_space<vmem>>, %arg8: memref<104x128xf32, #tpu.memory_space<vmem>>, %arg9: memref<104x128xf32, #tpu.memory_space<vmem>>, %arg10: memref<16x128xf32, #tpu.memory_space<vmem>>, %arg11: memref<10240x128xf32, #tpu.memory_space<vmem_shared>>, %arg12: memref<!tpu.dma_semaphore, #tpu.memory_space<semaphore_mem>>, %arg13: memref<!tpu.dma_semaphore, #tpu.memory_space<semaphore_mem>>, %arg14: memref<!tpu.dma_semaphore, #tpu.memory_space<semaphore_mem>>, %arg15: memref<!tpu.dma_semaphore, #tpu.memory_space<semaphore_mem>>) attributes {dimension_semantics = [#tpu.dimension_semantics<core_parallel>, #tpu.dimension_semantics<subcore_parallel>], iteration_bounds = array<i64: 2, 16>, scalar_prefetch = 0 : i64, scratch_operands = 10 : i64, tpu.core_type = #tpu.core_type<sc_vector_subcore>, window_params = [{transform_indices = #map}, {transform_indices = #map}, {transform_indices = #map}, {transform_indices = #map1}]} {
    %mul3A = arith.constant 2 : i32
    %mul3A_0 = arith.muli %arg1, %mul3A : i32
    %add3A = arith.addi %mul3A_0, %arg0 : i32
    %mul3A_1 = arith.constant 640 : i32
    %mul3A_2 = arith.muli %arg1, %mul3A_1 : i32
    %dma_start3A = arith.constant 0 : i32
    %dma_start3A_3 = tpu.memref_slice %arg11[%mul3A_2, %dma_start3A] : memref<10240x128xf32, #tpu.memory_space<vmem_shared>> -> memref<640x128xf32, #tpu.memory_space<vmem_shared>>
    tpu.enqueue_dma source(%arg4 : memref<640x128xf32, #tpu.memory_space<hbm>>) target(%dma_start3A_3 : memref<640x128xf32, #tpu.memory_space<vmem_shared>>) target_semaphore(%arg15 : memref<!tpu.dma_semaphore, #tpu.memory_space<semaphore_mem>>)
    %mul3A_4 = arith.constant 10000 : i32
    %mul3A_5 = arith.muli %add3A, %mul3A_4 : i32
    %run_scoped3A = arith.constant 0 : i32
    "tpu.region"() ({
      %run_scoped3A_52 = tpu.sem_alloc : memref<!tpu.dma_semaphore, #tpu.memory_space<semaphore_mem>>
      %dma_start3A_53 = tpu.memref_slice %arg3[%run_scoped3A, %mul3A_5] : memref<2x320000xi32, #tpu.memory_space<hbm>> -> memref<1x10000xi32, #tpu.memory_space<hbm>>
      %dma_start3A_54 = tpu.memref_squeeze %dma_start3A_53 : memref<1x10000xi32, #tpu.memory_space<hbm>> -> memref<10000xi32, #tpu.memory_space<hbm>>
      %dma_start3A_55 = tpu.memref_slice %arg3[%run_scoped3A, %mul3A_5] : memref<2x320000xi32, #tpu.memory_space<hbm>> -> memref<1x10000xi32, #tpu.memory_space<hbm>>
      %dma_start3A_56 = tpu.memref_squeeze %dma_start3A_55 : memref<1x10000xi32, #tpu.memory_space<hbm>> -> memref<10000xi32, #tpu.memory_space<hbm>>
      tpu.enqueue_dma source(%dma_start3A_56 : memref<10000xi32, #tpu.memory_space<hbm>>) target(%arg6 : memref<10000xi32, #tpu.memory_space<vmem>>) target_semaphore(%run_scoped3A_52 : memref<!tpu.dma_semaphore, #tpu.memory_space<semaphore_mem>>)
      %dma_wait3A_57 = tpu.memref_slice %arg3[%run_scoped3A, %mul3A_5] : memref<2x320000xi32, #tpu.memory_space<hbm>> -> memref<1x10000xi32, #tpu.memory_space<hbm>>
      %dma_wait3A_58 = tpu.memref_squeeze %dma_wait3A_57 : memref<1x10000xi32, #tpu.memory_space<hbm>> -> memref<10000xi32, #tpu.memory_space<hbm>>
      %dma_wait3A_59 = tpu.memref_slice %arg3[%run_scoped3A, %mul3A_5] : memref<2x320000xi32, #tpu.memory_space<hbm>> -> memref<1x10000xi32, #tpu.memory_space<hbm>>
      %dma_wait3A_60 = tpu.memref_squeeze %dma_wait3A_59 : memref<1x10000xi32, #tpu.memory_space<hbm>> -> memref<10000xi32, #tpu.memory_space<hbm>>
      tpu.wait_dma2 semaphore(%run_scoped3A_52 : memref<!tpu.dma_semaphore, #tpu.memory_space<semaphore_mem>>) src(%dma_wait3A_60 : memref<10000xi32, #tpu.memory_space<hbm>>) dst(%arg6 : memref<10000xi32, #tpu.memory_space<vmem>>)
      tpu.yield
    }) : () -> ()
    %mul3A_6 = arith.constant 10000 : i32
    %mul3A_7 = arith.muli %add3A, %mul3A_6 : i32
    %run_scoped3A_8 = arith.constant 1 : i32
    "tpu.region"() ({
      %run_scoped3A_52 = tpu.sem_alloc : memref<!tpu.dma_semaphore, #tpu.memory_space<semaphore_mem>>
      %dma_start3A_53 = tpu.memref_slice %arg3[%run_scoped3A_8, %mul3A_7] : memref<2x320000xi32, #tpu.memory_space<hbm>> -> memref<1x10000xi32, #tpu.memory_space<hbm>>
      %dma_start3A_54 = tpu.memref_squeeze %dma_start3A_53 : memref<1x10000xi32, #tpu.memory_space<hbm>> -> memref<10000xi32, #tpu.memory_space<hbm>>
      %dma_start3A_55 = tpu.memref_slice %arg3[%run_scoped3A_8, %mul3A_7] : memref<2x320000xi32, #tpu.memory_space<hbm>> -> memref<1x10000xi32, #tpu.memory_space<hbm>>
      %dma_start3A_56 = tpu.memref_squeeze %dma_start3A_55 : memref<1x10000xi32, #tpu.memory_space<hbm>> -> memref<10000xi32, #tpu.memory_space<hbm>>
      tpu.enqueue_dma source(%dma_start3A_56 : memref<10000xi32, #tpu.memory_space<hbm>>) target(%arg7 : memref<10000xi32, #tpu.memory_space<vmem>>) target_semaphore(%run_scoped3A_52 : memref<!tpu.dma_semaphore, #tpu.memory_space<semaphore_mem>>)
      %dma_wait3A_57 = tpu.memref_slice %arg3[%run_scoped3A_8, %mul3A_7] : memref<2x320000xi32, #tpu.memory_space<hbm>> -> memref<1x10000xi32, #tpu.memory_space<hbm>>
      %dma_wait3A_58 = tpu.memref_squeeze %dma_wait3A_57 : memref<1x10000xi32, #tpu.memory_space<hbm>> -> memref<10000xi32, #tpu.memory_space<hbm>>
      %dma_wait3A_59 = tpu.memref_slice %arg3[%run_scoped3A_8, %mul3A_7] : memref<2x320000xi32, #tpu.memory_space<hbm>> -> memref<1x10000xi32, #tpu.memory_space<hbm>>
      %dma_wait3A_60 = tpu.memref_squeeze %dma_wait3A_59 : memref<1x10000xi32, #tpu.memory_space<hbm>> -> memref<10000xi32, #tpu.memory_space<hbm>>
      tpu.wait_dma2 semaphore(%run_scoped3A_52 : memref<!tpu.dma_semaphore, #tpu.memory_space<semaphore_mem>>) src(%dma_wait3A_60 : memref<10000xi32, #tpu.memory_space<hbm>>) dst(%arg7 : memref<10000xi32, #tpu.memory_space<vmem>>)
      tpu.yield
    }) : () -> ()
    %dma_start3A_9 = arith.constant 0 : i32
    %dma_start3A_10 = tpu.memref_slice %arg6[%dma_start3A_9] : memref<10000xi32, #tpu.memory_space<vmem>> -> memref<104xi32, #tpu.memory_space<vmem>>
    %dma_start3A_11 = arith.constant 0 : i32
    %dma_start3A_12 = arith.constant 0 : i32
    %dma_start3A_13 = tpu.memref_slice %arg2[%dma_start3A_11, %dma_start3A_12] : memref<10000x128xf32, #tpu.memory_space<hbm>> -> memref<10000x128xf32, #tpu.memory_space<hbm>>
    tpu.enqueue_indirect_dma source(%dma_start3A_13 : memref<10000x128xf32, #tpu.memory_space<hbm>>) target(%arg8 : memref<104x128xf32, #tpu.memory_space<vmem>>) offsets(%dma_start3A_10 : memref<104xi32, #tpu.memory_space<vmem>>) semaphore(%arg12 : memref<!tpu.dma_semaphore, #tpu.memory_space<semaphore_mem>>)
    %dma_start3A_14 = arith.constant 104 : i32
    %dma_start3A_15 = tpu.memref_slice %arg6[%dma_start3A_14] : memref<10000xi32, #tpu.memory_space<vmem>> -> memref<104xi32, #tpu.memory_space<vmem>>
    %dma_start3A_16 = arith.constant 0 : i32
    %dma_start3A_17 = arith.constant 0 : i32
    %dma_start3A_18 = tpu.memref_slice %arg2[%dma_start3A_16, %dma_start3A_17] : memref<10000x128xf32, #tpu.memory_space<hbm>> -> memref<10000x128xf32, #tpu.memory_space<hbm>>
    tpu.enqueue_indirect_dma source(%dma_start3A_18 : memref<10000x128xf32, #tpu.memory_space<hbm>>) target(%arg9 : memref<104x128xf32, #tpu.memory_space<vmem>>) offsets(%dma_start3A_15 : memref<104xi32, #tpu.memory_space<vmem>>) semaphore(%arg13 : memref<!tpu.dma_semaphore, #tpu.memory_space<semaphore_mem>>)
    %dma_start3A_19 = arith.constant 9984 : i32
    %dma_start3A_20 = tpu.memref_slice %arg6[%dma_start3A_19] : memref<10000xi32, #tpu.memory_space<vmem>> -> memref<16xi32, #tpu.memory_space<vmem>>
    %dma_start3A_21 = arith.constant 0 : i32
    %dma_start3A_22 = arith.constant 0 : i32
    %dma_start3A_23 = tpu.memref_slice %arg2[%dma_start3A_21, %dma_start3A_22] : memref<10000x128xf32, #tpu.memory_space<hbm>> -> memref<10000x128xf32, #tpu.memory_space<hbm>>
    tpu.enqueue_indirect_dma source(%dma_start3A_23 : memref<10000x128xf32, #tpu.memory_space<hbm>>) target(%arg10 : memref<16x128xf32, #tpu.memory_space<vmem>>) offsets(%dma_start3A_20 : memref<16xi32, #tpu.memory_space<vmem>>) semaphore(%arg14 : memref<!tpu.dma_semaphore, #tpu.memory_space<semaphore_mem>>)
    %mul3A_24 = arith.constant 640 : i32
    %mul3A_25 = arith.muli %arg1, %mul3A_24 : i32
    %dma_wait3A = arith.constant 0 : i32
    %dma_wait3A_26 = tpu.memref_slice %arg11[%mul3A_25, %dma_wait3A] : memref<10240x128xf32, #tpu.memory_space<vmem_shared>> -> memref<640x128xf32, #tpu.memory_space<vmem_shared>>
    tpu.wait_dma2 semaphore(%arg15 : memref<!tpu.dma_semaphore, #tpu.memory_space<semaphore_mem>>) src(%arg4 : memref<640x128xf32, #tpu.memory_space<hbm>>) dst(%dma_wait3A_26 : memref<640x128xf32, #tpu.memory_space<vmem_shared>>)
    %barrier3A = arith.constant 0 : index
    tpu.barrier barrier_id(%barrier3A)
    %scan3A = arith.constant 0 : i32
    %scan3A_27 = arith.constant 0 : i32
    %scan3A_28 = arith.constant 47 : i32
    %scan3A_29 = arith.addi %scan3A_27, %scan3A_28 : i32
    %scan3A_30 = arith.constant 1 : i32
    scf.for %scan3A_52 = %scan3A_27 to %scan3A_29 step %scan3A_30  : i32 {
      %mul3A_53 = arith.constant 2 : i32
      %mul3A_54 = arith.muli %mul3A_53, %scan3A_52 : i32
      %mul3A_55 = arith.constant 104 : i32
      %mul3A_56 = arith.muli %mul3A_54, %mul3A_55 : i32
      %dma_wait3A_57 = tpu.memref_slice %arg6[%mul3A_56] : memref<10000xi32, #tpu.memory_space<vmem>> -> memref<104xi32, #tpu.memory_space<vmem>>
      %dma_wait3A_58 = arith.constant 0 : i32
      %dma_wait3A_59 = arith.constant 0 : i32
      %dma_wait3A_60 = tpu.memref_slice %arg2[%dma_wait3A_58, %dma_wait3A_59] : memref<10000x128xf32, #tpu.memory_space<hbm>> -> memref<10000x128xf32, #tpu.memory_space<hbm>>
      tpu.wait_indirect_dma semaphore(%arg12 : memref<!tpu.dma_semaphore, #tpu.memory_space<semaphore_mem>>) src(%dma_wait3A_60 : memref<10000x128xf32, #tpu.memory_space<hbm>>) dst(%arg8 : memref<104x128xf32, #tpu.memory_space<vmem>>)
      %mul3A_61 = arith.constant 104 : i32
      %mul3A_62 = arith.muli %mul3A_54, %mul3A_61 : i32
      "tpu.region"() ({
        %run_scoped3A_91 = tpu.sem_alloc : memref<!tpu.dma_semaphore, #tpu.memory_space<semaphore_mem>>
        %dma_start3A_92 = tpu.memref_slice %arg7[%mul3A_62] : memref<10000xi32, #tpu.memory_space<vmem>> -> memref<104xi32, #tpu.memory_space<vmem>>
        %dma_start3A_93 = arith.constant 0 : i32
        %dma_start3A_94 = arith.constant 0 : i32
        %dma_start3A_95 = tpu.memref_slice %arg11[%dma_start3A_93, %dma_start3A_94] : memref<10240x128xf32, #tpu.memory_space<vmem_shared>> -> memref<10240x128xf32, #tpu.memory_space<vmem_shared>>
        tpu.enqueue_indirect_dma source(%arg8 : memref<104x128xf32, #tpu.memory_space<vmem>>) target(%dma_start3A_95 : memref<10240x128xf32, #tpu.memory_space<vmem_shared>>) offsets(%dma_start3A_92 : memref<104xi32, #tpu.memory_space<vmem>>) semaphore(%run_scoped3A_91 : memref<!tpu.dma_semaphore, #tpu.memory_space<semaphore_mem>>) {add = true}
        %dma_wait3A_96 = tpu.memref_slice %arg7[%mul3A_62] : memref<10000xi32, #tpu.memory_space<vmem>> -> memref<104xi32, #tpu.memory_space<vmem>>
        %dma_wait3A_97 = arith.constant 0 : i32
        %dma_wait3A_98 = arith.constant 0 : i32
        %dma_wait3A_99 = tpu.memref_slice %arg11[%dma_wait3A_97, %dma_wait3A_98] : memref<10240x128xf32, #tpu.memory_space<vmem_shared>> -> memref<10240x128xf32, #tpu.memory_space<vmem_shared>>
        tpu.wait_indirect_dma semaphore(%run_scoped3A_91 : memref<!tpu.dma_semaphore, #tpu.memory_space<semaphore_mem>>) src(%arg8 : memref<104x128xf32, #tpu.memory_space<vmem>>) dst(%dma_wait3A_99 : memref<10240x128xf32, #tpu.memory_space<vmem_shared>>)
        tpu.yield
      }) : () -> ()
      %add3A_63 = arith.constant 2 : i32
      %add3A_64 = arith.addi %mul3A_54, %add3A_63 : i32
      %mul3A_65 = arith.constant 104 : i32
      %mul3A_66 = arith.muli %add3A_64, %mul3A_65 : i32
      %dma_start3A_67 = tpu.memref_slice %arg6[%mul3A_66] : memref<10000xi32, #tpu.memory_space<vmem>> -> memref<104xi32, #tpu.memory_space<vmem>>
      %dma_start3A_68 = arith.constant 0 : i32
      %dma_start3A_69 = arith.constant 0 : i32
      %dma_start3A_70 = tpu.memref_slice %arg2[%dma_start3A_68, %dma_start3A_69] : memref<10000x128xf32, #tpu.memory_space<hbm>> -> memref<10000x128xf32, #tpu.memory_space<hbm>>
      tpu.enqueue_indirect_dma source(%dma_start3A_70 : memref<10000x128xf32, #tpu.memory_space<hbm>>) target(%arg8 : memref<104x128xf32, #tpu.memory_space<vmem>>) offsets(%dma_start3A_67 : memref<104xi32, #tpu.memory_space<vmem>>) semaphore(%arg12 : memref<!tpu.dma_semaphore, #tpu.memory_space<semaphore_mem>>)
      %add3A_71 = arith.constant 1 : i32
      %add3A_72 = arith.addi %mul3A_54, %add3A_71 : i32
      %mul3A_73 = arith.constant 104 : i32
      %mul3A_74 = arith.muli %add3A_72, %mul3A_73 : i32
      %dma_wait3A_75 = tpu.memref_slice %arg6[%mul3A_74] : memref<10000xi32, #tpu.memory_space<vmem>> -> memref<104xi32, #tpu.memory_space<vmem>>
      %dma_wait3A_76 = arith.constant 0 : i32
      %dma_wait3A_77 = arith.constant 0 : i32
      %dma_wait3A_78 = tpu.memref_slice %arg2[%dma_wait3A_76, %dma_wait3A_77] : memref<10000x128xf32, #tpu.memory_space<hbm>> -> memref<10000x128xf32, #tpu.memory_space<hbm>>
      tpu.wait_indirect_dma semaphore(%arg13 : memref<!tpu.dma_semaphore, #tpu.memory_space<semaphore_mem>>) src(%dma_wait3A_78 : memref<10000x128xf32, #tpu.memory_space<hbm>>) dst(%arg9 : memref<104x128xf32, #tpu.memory_space<vmem>>)
      %add3A_79 = arith.constant 1 : i32
      %add3A_80 = arith.addi %mul3A_54, %add3A_79 : i32
      %mul3A_81 = arith.constant 104 : i32
      %mul3A_82 = arith.muli %add3A_80, %mul3A_81 : i32
      "tpu.region"() ({
        %run_scoped3A_91 = tpu.sem_alloc : memref<!tpu.dma_semaphore, #tpu.memory_space<semaphore_mem>>
        %dma_start3A_92 = tpu.memref_slice %arg7[%mul3A_82] : memref<10000xi32, #tpu.memory_space<vmem>> -> memref<104xi32, #tpu.memory_space<vmem>>
        %dma_start3A_93 = arith.constant 0 : i32
        %dma_start3A_94 = arith.constant 0 : i32
        %dma_start3A_95 = tpu.memref_slice %arg11[%dma_start3A_93, %dma_start3A_94] : memref<10240x128xf32, #tpu.memory_space<vmem_shared>> -> memref<10240x128xf32, #tpu.memory_space<vmem_shared>>
        tpu.enqueue_indirect_dma source(%arg9 : memref<104x128xf32, #tpu.memory_space<vmem>>) target(%dma_start3A_95 : memref<10240x128xf32, #tpu.memory_space<vmem_shared>>) offsets(%dma_start3A_92 : memref<104xi32, #tpu.memory_space<vmem>>) semaphore(%run_scoped3A_91 : memref<!tpu.dma_semaphore, #tpu.memory_space<semaphore_mem>>) {add = true}
        %dma_wait3A_96 = tpu.memref_slice %arg7[%mul3A_82] : memref<10000xi32, #tpu.memory_space<vmem>> -> memref<104xi32, #tpu.memory_space<vmem>>
        %dma_wait3A_97 = arith.constant 0 : i32
        %dma_wait3A_98 = arith.constant 0 : i32
        %dma_wait3A_99 = tpu.memref_slice %arg11[%dma_wait3A_97, %dma_wait3A_98] : memref<10240x128xf32, #tpu.memory_space<vmem_shared>> -> memref<10240x128xf32, #tpu.memory_space<vmem_shared>>
        tpu.wait_indirect_dma semaphore(%run_scoped3A_91 : memref<!tpu.dma_semaphore, #tpu.memory_space<semaphore_mem>>) src(%arg9 : memref<104x128xf32, #tpu.memory_space<vmem>>) dst(%dma_wait3A_99 : memref<10240x128xf32, #tpu.memory_space<vmem_shared>>)
        tpu.yield
      }) : () -> ()
      %add3A_83 = arith.constant 3 : i32
      %add3A_84 = arith.addi %mul3A_54, %add3A_83 : i32
      %mul3A_85 = arith.constant 104 : i32
      %mul3A_86 = arith.muli %add3A_84, %mul3A_85 : i32
      %dma_start3A_87 = tpu.memref_slice %arg6[%mul3A_86] : memref<10000xi32, #tpu.memory_space<vmem>> -> memref<104xi32, #tpu.memory_space<vmem>>
      %dma_start3A_88 = arith.constant 0 : i32
      %dma_start3A_89 = arith.constant 0 : i32
      %dma_start3A_90 = tpu.memref_slice %arg2[%dma_start3A_88, %dma_start3A_89] : memref<10000x128xf32, #tpu.memory_space<hbm>> -> memref<10000x128xf32, #tpu.memory_space<hbm>>
      tpu.enqueue_indirect_dma source(%dma_start3A_90 : memref<10000x128xf32, #tpu.memory_space<hbm>>) target(%arg9 : memref<104x128xf32, #tpu.memory_space<vmem>>) offsets(%dma_start3A_87 : memref<104xi32, #tpu.memory_space<vmem>>) semaphore(%arg13 : memref<!tpu.dma_semaphore, #tpu.memory_space<semaphore_mem>>)
    }
    %scan3A_31 = arith.constant 47 : i32
    %dma_wait3A_32 = arith.constant 9776 : i32
    %dma_wait3A_33 = tpu.memref_slice %arg6[%dma_wait3A_32] : memref<10000xi32, #tpu.memory_space<vmem>> -> memref<104xi32, #tpu.memory_space<vmem>>
    %dma_wait3A_34 = arith.constant 0 : i32
    %dma_wait3A_35 = arith.constant 0 : i32
    %dma_wait3A_36 = tpu.memref_slice %arg2[%dma_wait3A_34, %dma_wait3A_35] : memref<10000x128xf32, #tpu.memory_space<hbm>> -> memref<10000x128xf32, #tpu.memory_space<hbm>>
    tpu.wait_indirect_dma semaphore(%arg12 : memref<!tpu.dma_semaphore, #tpu.memory_space<semaphore_mem>>) src(%dma_wait3A_36 : memref<10000x128xf32, #tpu.memory_space<hbm>>) dst(%arg8 : memref<104x128xf32, #tpu.memory_space<vmem>>)
    "tpu.region"() ({
      %run_scoped3A_52 = tpu.sem_alloc : memref<!tpu.dma_semaphore, #tpu.memory_space<semaphore_mem>>
      %dma_start3A_53 = arith.constant 9776 : i32
      %dma_start3A_54 = tpu.memref_slice %arg7[%dma_start3A_53] : memref<10000xi32, #tpu.memory_space<vmem>> -> memref<104xi32, #tpu.memory_space<vmem>>
      %dma_start3A_55 = arith.constant 0 : i32
      %dma_start3A_56 = arith.constant 0 : i32
      %dma_start3A_57 = tpu.memref_slice %arg11[%dma_start3A_55, %dma_start3A_56] : memref<10240x128xf32, #tpu.memory_space<vmem_shared>> -> memref<10240x128xf32, #tpu.memory_space<vmem_shared>>
      tpu.enqueue_indirect_dma source(%arg8 : memref<104x128xf32, #tpu.memory_space<vmem>>) target(%dma_start3A_57 : memref<10240x128xf32, #tpu.memory_space<vmem_shared>>) offsets(%dma_start3A_54 : memref<104xi32, #tpu.memory_space<vmem>>) semaphore(%run_scoped3A_52 : memref<!tpu.dma_semaphore, #tpu.memory_space<semaphore_mem>>) {add = true}
      %dma_wait3A_58 = arith.constant 9776 : i32
      %dma_wait3A_59 = tpu.memref_slice %arg7[%dma_wait3A_58] : memref<10000xi32, #tpu.memory_space<vmem>> -> memref<104xi32, #tpu.memory_space<vmem>>
      %dma_wait3A_60 = arith.constant 0 : i32
      %dma_wait3A_61 = arith.constant 0 : i32
      %dma_wait3A_62 = tpu.memref_slice %arg11[%dma_wait3A_60, %dma_wait3A_61] : memref<10240x128xf32, #tpu.memory_space<vmem_shared>> -> memref<10240x128xf32, #tpu.memory_space<vmem_shared>>
      tpu.wait_indirect_dma semaphore(%run_scoped3A_52 : memref<!tpu.dma_semaphore, #tpu.memory_space<semaphore_mem>>) src(%arg8 : memref<104x128xf32, #tpu.memory_space<vmem>>) dst(%dma_wait3A_62 : memref<10240x128xf32, #tpu.memory_space<vmem_shared>>)
      tpu.yield
    }) : () -> ()
    %dma_wait3A_37 = arith.constant 9880 : i32
    %dma_wait3A_38 = tpu.memref_slice %arg6[%dma_wait3A_37] : memref<10000xi32, #tpu.memory_space<vmem>> -> memref<104xi32, #tpu.memory_space<vmem>>
    %dma_wait3A_39 = arith.constant 0 : i32
    %dma_wait3A_40 = arith.constant 0 : i32
    %dma_wait3A_41 = tpu.memref_slice %arg2[%dma_wait3A_39, %dma_wait3A_40] : memref<10000x128xf32, #tpu.memory_space<hbm>> -> memref<10000x128xf32, #tpu.memory_space<hbm>>
    tpu.wait_indirect_dma semaphore(%arg13 : memref<!tpu.dma_semaphore, #tpu.memory_space<semaphore_mem>>) src(%dma_wait3A_41 : memref<10000x128xf32, #tpu.memory_space<hbm>>) dst(%arg9 : memref<104x128xf32, #tpu.memory_space<vmem>>)
    "tpu.region"() ({
      %run_scoped3A_52 = tpu.sem_alloc : memref<!tpu.dma_semaphore, #tpu.memory_space<semaphore_mem>>
      %dma_start3A_53 = arith.constant 9880 : i32
      %dma_start3A_54 = tpu.memref_slice %arg7[%dma_start3A_53] : memref<10000xi32, #tpu.memory_space<vmem>> -> memref<104xi32, #tpu.memory_space<vmem>>
      %dma_start3A_55 = arith.constant 0 : i32
      %dma_start3A_56 = arith.constant 0 : i32
      %dma_start3A_57 = tpu.memref_slice %arg11[%dma_start3A_55, %dma_start3A_56] : memref<10240x128xf32, #tpu.memory_space<vmem_shared>> -> memref<10240x128xf32, #tpu.memory_space<vmem_shared>>
      tpu.enqueue_indirect_dma source(%arg9 : memref<104x128xf32, #tpu.memory_space<vmem>>) target(%dma_start3A_57 : memref<10240x128xf32, #tpu.memory_space<vmem_shared>>) offsets(%dma_start3A_54 : memref<104xi32, #tpu.memory_space<vmem>>) semaphore(%run_scoped3A_52 : memref<!tpu.dma_semaphore, #tpu.memory_space<semaphore_mem>>) {add = true}
      %dma_wait3A_58 = arith.constant 9880 : i32
      %dma_wait3A_59 = tpu.memref_slice %arg7[%dma_wait3A_58] : memref<10000xi32, #tpu.memory_space<vmem>> -> memref<104xi32, #tpu.memory_space<vmem>>
      %dma_wait3A_60 = arith.constant 0 : i32
      %dma_wait3A_61 = arith.constant 0 : i32
      %dma_wait3A_62 = tpu.memref_slice %arg11[%dma_wait3A_60, %dma_wait3A_61] : memref<10240x128xf32, #tpu.memory_space<vmem_shared>> -> memref<10240x128xf32, #tpu.memory_space<vmem_shared>>
      tpu.wait_indirect_dma semaphore(%run_scoped3A_52 : memref<!tpu.dma_semaphore, #tpu.memory_space<semaphore_mem>>) src(%arg9 : memref<104x128xf32, #tpu.memory_space<vmem>>) dst(%dma_wait3A_62 : memref<10240x128xf32, #tpu.memory_space<vmem_shared>>)
      tpu.yield
    }) : () -> ()
    %dma_wait3A_42 = arith.constant 9984 : i32
    %dma_wait3A_43 = tpu.memref_slice %arg6[%dma_wait3A_42] : memref<10000xi32, #tpu.memory_space<vmem>> -> memref<16xi32, #tpu.memory_space<vmem>>
    %dma_wait3A_44 = arith.constant 0 : i32
    %dma_wait3A_45 = arith.constant 0 : i32
    %dma_wait3A_46 = tpu.memref_slice %arg2[%dma_wait3A_44, %dma_wait3A_45] : memref<10000x128xf32, #tpu.memory_space<hbm>> -> memref<10000x128xf32, #tpu.memory_space<hbm>>
    tpu.wait_indirect_dma semaphore(%arg14 : memref<!tpu.dma_semaphore, #tpu.memory_space<semaphore_mem>>) src(%dma_wait3A_46 : memref<10000x128xf32, #tpu.memory_space<hbm>>) dst(%arg10 : memref<16x128xf32, #tpu.memory_space<vmem>>)
    "tpu.region"() ({
      %run_scoped3A_52 = tpu.sem_alloc : memref<!tpu.dma_semaphore, #tpu.memory_space<semaphore_mem>>
      %dma_start3A_53 = arith.constant 9984 : i32
      %dma_start3A_54 = tpu.memref_slice %arg7[%dma_start3A_53] : memref<10000xi32, #tpu.memory_space<vmem>> -> memref<16xi32, #tpu.memory_space<vmem>>
      %dma_start3A_55 = arith.constant 0 : i32
      %dma_start3A_56 = arith.constant 0 : i32
      %dma_start3A_57 = tpu.memref_slice %arg11[%dma_start3A_55, %dma_start3A_56] : memref<10240x128xf32, #tpu.memory_space<vmem_shared>> -> memref<10240x128xf32, #tpu.memory_space<vmem_shared>>
      tpu.enqueue_indirect_dma source(%arg10 : memref<16x128xf32, #tpu.memory_space<vmem>>) target(%dma_start3A_57 : memref<10240x128xf32, #tpu.memory_space<vmem_shared>>) offsets(%dma_start3A_54 : memref<16xi32, #tpu.memory_space<vmem>>) semaphore(%run_scoped3A_52 : memref<!tpu.dma_semaphore, #tpu.memory_space<semaphore_mem>>) {add = true}
      %dma_wait3A_58 = arith.constant 9984 : i32
      %dma_wait3A_59 = tpu.memref_slice %arg7[%dma_wait3A_58] : memref<10000xi32, #tpu.memory_space<vmem>> -> memref<16xi32, #tpu.memory_space<vmem>>
      %dma_wait3A_60 = arith.constant 0 : i32
      %dma_wait3A_61 = arith.constant 0 : i32
      %dma_wait3A_62 = tpu.memref_slice %arg11[%dma_wait3A_60, %dma_wait3A_61] : memref<10240x128xf32, #tpu.memory_space<vmem_shared>> -> memref<10240x128xf32, #tpu.memory_space<vmem_shared>>
      tpu.wait_indirect_dma semaphore(%run_scoped3A_52 : memref<!tpu.dma_semaphore, #tpu.memory_space<semaphore_mem>>) src(%arg10 : memref<16x128xf32, #tpu.memory_space<vmem>>) dst(%dma_wait3A_62 : memref<10240x128xf32, #tpu.memory_space<vmem_shared>>)
      tpu.yield
    }) : () -> ()
    %barrier3A_47 = arith.constant 0 : index
    tpu.barrier barrier_id(%barrier3A_47)
    %mul3A_48 = arith.constant 640 : i32
    %mul3A_49 = arith.muli %arg1, %mul3A_48 : i32
    %mul3A_50 = arith.constant 640 : i32
    %mul3A_51 = arith.muli %arg1, %mul3A_50 : i32
    "tpu.region"() ({
      %run_scoped3A_52 = tpu.sem_alloc : memref<!tpu.dma_semaphore, #tpu.memory_space<semaphore_mem>>
      %dma_start3A_53 = arith.constant 0 : i32
      %dma_start3A_54 = tpu.memref_slice %arg5[%arg0, %mul3A_51, %dma_start3A_53] : memref<2x10240x128xf32, #tpu.memory_space<hbm>> -> memref<1x640x128xf32, #tpu.memory_space<hbm>>
      %dma_start3A_55 = tpu.memref_squeeze %dma_start3A_54 : memref<1x640x128xf32, #tpu.memory_space<hbm>> -> memref<640x128xf32, #tpu.memory_space<hbm>>
      %dma_start3A_56 = arith.constant 0 : i32
      %dma_start3A_57 = tpu.memref_slice %arg11[%mul3A_49, %dma_start3A_56] : memref<10240x128xf32, #tpu.memory_space<vmem_shared>> -> memref<640x128xf32, #tpu.memory_space<vmem_shared>>
      tpu.enqueue_dma source(%dma_start3A_57 : memref<640x128xf32, #tpu.memory_space<vmem_shared>>) target(%dma_start3A_55 : memref<640x128xf32, #tpu.memory_space<hbm>>) target_semaphore(%run_scoped3A_52 : memref<!tpu.dma_semaphore, #tpu.memory_space<semaphore_mem>>)
      %dma_wait3A_58 = arith.constant 0 : i32
      %dma_wait3A_59 = tpu.memref_slice %arg5[%arg0, %mul3A_51, %dma_wait3A_58] : memref<2x10240x128xf32, #tpu.memory_space<hbm>> -> memref<1x640x128xf32, #tpu.memory_space<hbm>>
      %dma_wait3A_60 = tpu.memref_squeeze %dma_wait3A_59 : memref<1x640x128xf32, #tpu.memory_space<hbm>> -> memref<640x128xf32, #tpu.memory_space<hbm>>
      %dma_wait3A_61 = arith.constant 0 : i32
      %dma_wait3A_62 = tpu.memref_slice %arg11[%mul3A_49, %dma_wait3A_61] : memref<10240x128xf32, #tpu.memory_space<vmem_shared>> -> memref<640x128xf32, #tpu.memory_space<vmem_shared>>
      tpu.wait_dma2 semaphore(%run_scoped3A_52 : memref<!tpu.dma_semaphore, #tpu.memory_space<semaphore_mem>>) src(%dma_wait3A_62 : memref<640x128xf32, #tpu.memory_space<vmem_shared>>) dst(%dma_wait3A_60 : memref<640x128xf32, #tpu.memory_space<hbm>>)
      tpu.yield
    }) : () -> ()
    return
  }
}

#map = affine_map<(d0, d1) -> (0, 0)>
#map1 = affine_map<(d0, d1) -> (0)>
module attributes {stable_mosaic.version = 14 : i64} {
  func.func @_sc_deg(%arg0: i32, %arg1: i32, %arg2: memref<2x320000xi32, #tpu.memory_space<hbm>>, %arg3: memref<640xf32, #tpu.memory_space<hbm>>, %arg4: memref<8x10240xf32, #tpu.memory_space<hbm>>, %arg5: memref<10000xi32, #tpu.memory_space<vmem>>, %arg6: memref<128xf32, #tpu.memory_space<vmem>>, %arg7: memref<10240xf32, #tpu.memory_space<vmem_shared>>) attributes {dimension_semantics = [#tpu.dimension_semantics<core_parallel>, #tpu.dimension_semantics<subcore_parallel>], iteration_bounds = array<i64: 2, 16>, scalar_prefetch = 0 : i64, scratch_operands = 3 : i64, tpu.core_type = #tpu.core_type<sc_vector_subcore>, window_params = [{transform_indices = #map}, {transform_indices = #map1}, {transform_indices = #map}]} {
    %mul3A = arith.constant 2 : i32
    %mul3A_0 = arith.muli %arg1, %mul3A : i32
    %add3A = arith.addi %mul3A_0, %arg0 : i32
    %mul3A_1 = arith.constant 640 : i32
    %mul3A_2 = arith.muli %arg1, %mul3A_1 : i32
    "tpu.region"() ({
      %run_scoped3A_61 = tpu.sem_alloc : memref<!tpu.dma_semaphore, #tpu.memory_space<semaphore_mem>>
      %dma_start3A = tpu.memref_slice %arg7[%mul3A_2] : memref<10240xf32, #tpu.memory_space<vmem_shared>> -> memref<640xf32, #tpu.memory_space<vmem_shared>>
      tpu.enqueue_dma source(%arg3 : memref<640xf32, #tpu.memory_space<hbm>>) target(%dma_start3A : memref<640xf32, #tpu.memory_space<vmem_shared>>) target_semaphore(%run_scoped3A_61 : memref<!tpu.dma_semaphore, #tpu.memory_space<semaphore_mem>>)
      %dma_wait3A = tpu.memref_slice %arg7[%mul3A_2] : memref<10240xf32, #tpu.memory_space<vmem_shared>> -> memref<640xf32, #tpu.memory_space<vmem_shared>>
      tpu.wait_dma2 semaphore(%run_scoped3A_61 : memref<!tpu.dma_semaphore, #tpu.memory_space<semaphore_mem>>) src(%arg3 : memref<640xf32, #tpu.memory_space<hbm>>) dst(%dma_wait3A : memref<640xf32, #tpu.memory_space<vmem_shared>>)
      tpu.yield
    }) : () -> ()
    %mul3A_3 = arith.constant 10000 : i32
    %mul3A_4 = arith.muli %add3A, %mul3A_3 : i32
    %run_scoped3A = arith.constant 1 : i32
    "tpu.region"() ({
      %run_scoped3A_61 = tpu.sem_alloc : memref<!tpu.dma_semaphore, #tpu.memory_space<semaphore_mem>>
      %dma_start3A = tpu.memref_slice %arg2[%run_scoped3A, %mul3A_4] : memref<2x320000xi32, #tpu.memory_space<hbm>> -> memref<1x10000xi32, #tpu.memory_space<hbm>>
      %dma_start3A_62 = tpu.memref_squeeze %dma_start3A : memref<1x10000xi32, #tpu.memory_space<hbm>> -> memref<10000xi32, #tpu.memory_space<hbm>>
      %dma_start3A_63 = tpu.memref_slice %arg2[%run_scoped3A, %mul3A_4] : memref<2x320000xi32, #tpu.memory_space<hbm>> -> memref<1x10000xi32, #tpu.memory_space<hbm>>
      %dma_start3A_64 = tpu.memref_squeeze %dma_start3A_63 : memref<1x10000xi32, #tpu.memory_space<hbm>> -> memref<10000xi32, #tpu.memory_space<hbm>>
      tpu.enqueue_dma source(%dma_start3A_64 : memref<10000xi32, #tpu.memory_space<hbm>>) target(%arg5 : memref<10000xi32, #tpu.memory_space<vmem>>) target_semaphore(%run_scoped3A_61 : memref<!tpu.dma_semaphore, #tpu.memory_space<semaphore_mem>>)
      %dma_wait3A = tpu.memref_slice %arg2[%run_scoped3A, %mul3A_4] : memref<2x320000xi32, #tpu.memory_space<hbm>> -> memref<1x10000xi32, #tpu.memory_space<hbm>>
      %dma_wait3A_65 = tpu.memref_squeeze %dma_wait3A : memref<1x10000xi32, #tpu.memory_space<hbm>> -> memref<10000xi32, #tpu.memory_space<hbm>>
      %dma_wait3A_66 = tpu.memref_slice %arg2[%run_scoped3A, %mul3A_4] : memref<2x320000xi32, #tpu.memory_space<hbm>> -> memref<1x10000xi32, #tpu.memory_space<hbm>>
      %dma_wait3A_67 = tpu.memref_squeeze %dma_wait3A_66 : memref<1x10000xi32, #tpu.memory_space<hbm>> -> memref<10000xi32, #tpu.memory_space<hbm>>
      tpu.wait_dma2 semaphore(%run_scoped3A_61 : memref<!tpu.dma_semaphore, #tpu.memory_space<semaphore_mem>>) src(%dma_wait3A_67 : memref<10000xi32, #tpu.memory_space<hbm>>) dst(%arg5 : memref<10000xi32, #tpu.memory_space<vmem>>)
      tpu.yield
    }) : () -> ()
    %broadcast_in_dim3A = arith.constant 1.000000e+00 : f32
    %broadcast_in_dim3A_5 = vector.broadcast %broadcast_in_dim3A : f32 to vector<16xf32>
    %swap3A = arith.constant 0 : index
    %swap3A_6 = tpu.vector_load %arg6[%swap3A] {strides = array<i32>} : memref<128xf32, #tpu.memory_space<vmem>>, vector<16xf32>,
    %swap3A_7 = vector.shape_cast %swap3A_6 : vector<16xf32> to vector<16xf32>
    %swap3A_8 = vector.shape_cast %broadcast_in_dim3A_5 : vector<16xf32> to vector<16xf32>
    tpu.vector_store %arg6[%swap3A], %swap3A_8 {strides = array<i32>} : memref<128xf32, #tpu.memory_space<vmem>>, vector<16xf32>,
    %broadcast_in_dim3A_9 = arith.constant 1.000000e+00 : f32
    %broadcast_in_dim3A_10 = vector.broadcast %broadcast_in_dim3A_9 : f32 to vector<16xf32>
    %swap3A_11 = arith.constant 16 : index
    %swap3A_12 = tpu.vector_load %arg6[%swap3A_11] {strides = array<i32>} : memref<128xf32, #tpu.memory_space<vmem>>, vector<16xf32>,
    %swap3A_13 = vector.shape_cast %swap3A_12 : vector<16xf32> to vector<16xf32>
    %swap3A_14 = vector.shape_cast %broadcast_in_dim3A_10 : vector<16xf32> to vector<16xf32>
    tpu.vector_store %arg6[%swap3A_11], %swap3A_14 {strides = array<i32>} : memref<128xf32, #tpu.memory_space<vmem>>, vector<16xf32>,
    %broadcast_in_dim3A_15 = arith.constant 1.000000e+00 : f32
    %broadcast_in_dim3A_16 = vector.broadcast %broadcast_in_dim3A_15 : f32 to vector<16xf32>
    %swap3A_17 = arith.constant 32 : index
    %swap3A_18 = tpu.vector_load %arg6[%swap3A_17] {strides = array<i32>} : memref<128xf32, #tpu.memory_space<vmem>>, vector<16xf32>,
    %swap3A_19 = vector.shape_cast %swap3A_18 : vector<16xf32> to vector<16xf32>
    %swap3A_20 = vector.shape_cast %broadcast_in_dim3A_16 : vector<16xf32> to vector<16xf32>
    tpu.vector_store %arg6[%swap3A_17], %swap3A_20 {strides = array<i32>} : memref<128xf32, #tpu.memory_space<vmem>>, vector<16xf32>,
    %broadcast_in_dim3A_21 = arith.constant 1.000000e+00 : f32
    %broadcast_in_dim3A_22 = vector.broadcast %broadcast_in_dim3A_21 : f32 to vector<16xf32>
    %swap3A_23 = arith.constant 48 : index
    %swap3A_24 = tpu.vector_load %arg6[%swap3A_23] {strides = array<i32>} : memref<128xf32, #tpu.memory_space<vmem>>, vector<16xf32>,
    %swap3A_25 = vector.shape_cast %swap3A_24 : vector<16xf32> to vector<16xf32>
    %swap3A_26 = vector.shape_cast %broadcast_in_dim3A_22 : vector<16xf32> to vector<16xf32>
    tpu.vector_store %arg6[%swap3A_23], %swap3A_26 {strides = array<i32>} : memref<128xf32, #tpu.memory_space<vmem>>, vector<16xf32>,
    %broadcast_in_dim3A_27 = arith.constant 1.000000e+00 : f32
    %broadcast_in_dim3A_28 = vector.broadcast %broadcast_in_dim3A_27 : f32 to vector<16xf32>
    %swap3A_29 = arith.constant 64 : index
    %swap3A_30 = tpu.vector_load %arg6[%swap3A_29] {strides = array<i32>} : memref<128xf32, #tpu.memory_space<vmem>>, vector<16xf32>,
    %swap3A_31 = vector.shape_cast %swap3A_30 : vector<16xf32> to vector<16xf32>
    %swap3A_32 = vector.shape_cast %broadcast_in_dim3A_28 : vector<16xf32> to vector<16xf32>
    tpu.vector_store %arg6[%swap3A_29], %swap3A_32 {strides = array<i32>} : memref<128xf32, #tpu.memory_space<vmem>>, vector<16xf32>,
    %broadcast_in_dim3A_33 = arith.constant 1.000000e+00 : f32
    %broadcast_in_dim3A_34 = vector.broadcast %broadcast_in_dim3A_33 : f32 to vector<16xf32>
    %swap3A_35 = arith.constant 80 : index
    %swap3A_36 = tpu.vector_load %arg6[%swap3A_35] {strides = array<i32>} : memref<128xf32, #tpu.memory_space<vmem>>, vector<16xf32>,
    %swap3A_37 = vector.shape_cast %swap3A_36 : vector<16xf32> to vector<16xf32>
    %swap3A_38 = vector.shape_cast %broadcast_in_dim3A_34 : vector<16xf32> to vector<16xf32>
    tpu.vector_store %arg6[%swap3A_35], %swap3A_38 {strides = array<i32>} : memref<128xf32, #tpu.memory_space<vmem>>, vector<16xf32>,
    %broadcast_in_dim3A_39 = arith.constant 1.000000e+00 : f32
    %broadcast_in_dim3A_40 = vector.broadcast %broadcast_in_dim3A_39 : f32 to vector<16xf32>
    %swap3A_41 = arith.constant 96 : index
    %swap3A_42 = tpu.vector_load %arg6[%swap3A_41] {strides = array<i32>} : memref<128xf32, #tpu.memory_space<vmem>>, vector<16xf32>,
    %swap3A_43 = vector.shape_cast %swap3A_42 : vector<16xf32> to vector<16xf32>
    %swap3A_44 = vector.shape_cast %broadcast_in_dim3A_40 : vector<16xf32> to vector<16xf32>
    tpu.vector_store %arg6[%swap3A_41], %swap3A_44 {strides = array<i32>} : memref<128xf32, #tpu.memory_space<vmem>>, vector<16xf32>,
    %broadcast_in_dim3A_45 = arith.constant 1.000000e+00 : f32
    %broadcast_in_dim3A_46 = vector.broadcast %broadcast_in_dim3A_45 : f32 to vector<16xf32>
    %swap3A_47 = arith.constant 112 : index
    %swap3A_48 = tpu.vector_load %arg6[%swap3A_47] {strides = array<i32>} : memref<128xf32, #tpu.memory_space<vmem>>, vector<16xf32>,
    %swap3A_49 = vector.shape_cast %swap3A_48 : vector<16xf32> to vector<16xf32>
    %swap3A_50 = vector.shape_cast %broadcast_in_dim3A_46 : vector<16xf32> to vector<16xf32>
    tpu.vector_store %arg6[%swap3A_47], %swap3A_50 {strides = array<i32>} : memref<128xf32, #tpu.memory_space<vmem>>, vector<16xf32>,
    %barrier3A = arith.constant 0 : index
    tpu.barrier barrier_id(%barrier3A)
    %scan3A = arith.constant 0 : i32
    %scan3A_51 = arith.constant 0 : i32
    %scan3A_52 = arith.constant 78 : i32
    %scan3A_53 = arith.addi %scan3A_51, %scan3A_52 : i32
    %scan3A_54 = arith.constant 1 : i32
    scf.for %scan3A_61 = %scan3A_51 to %scan3A_53 step %scan3A_54  : i32 {
      %mul3A_62 = arith.constant 128 : i32
      %mul3A_63 = arith.muli %scan3A_61, %mul3A_62 : i32
      "tpu.region"() ({
        %run_scoped3A_64 = tpu.sem_alloc : memref<!tpu.dma_semaphore, #tpu.memory_space<semaphore_mem>>
        %dma_start3A = tpu.memref_slice %arg5[%mul3A_63] : memref<10000xi32, #tpu.memory_space<vmem>> -> memref<128xi32, #tpu.memory_space<vmem>>
        %dma_start3A_65 = arith.constant 0 : i32
        %dma_start3A_66 = tpu.memref_slice %arg7[%dma_start3A_65] : memref<10240xf32, #tpu.memory_space<vmem_shared>> -> memref<10240xf32, #tpu.memory_space<vmem_shared>>
        tpu.enqueue_indirect_dma source(%arg6 : memref<128xf32, #tpu.memory_space<vmem>>) target(%dma_start3A_66 : memref<10240xf32, #tpu.memory_space<vmem_shared>>) offsets(%dma_start3A : memref<128xi32, #tpu.memory_space<vmem>>) semaphore(%run_scoped3A_64 : memref<!tpu.dma_semaphore, #tpu.memory_space<semaphore_mem>>) {add = true}
        %dma_wait3A = tpu.memref_slice %arg5[%mul3A_63] : memref<10000xi32, #tpu.memory_space<vmem>> -> memref<128xi32, #tpu.memory_space<vmem>>
        %dma_wait3A_67 = arith.constant 0 : i32
        %dma_wait3A_68 = tpu.memref_slice %arg7[%dma_wait3A_67] : memref<10240xf32, #tpu.memory_space<vmem_shared>> -> memref<10240xf32, #tpu.memory_space<vmem_shared>>
        tpu.wait_indirect_dma semaphore(%run_scoped3A_64 : memref<!tpu.dma_semaphore, #tpu.memory_space<semaphore_mem>>) src(%arg6 : memref<128xf32, #tpu.memory_space<vmem>>) dst(%dma_wait3A_68 : memref<10240xf32, #tpu.memory_space<vmem_shared>>)
        tpu.yield
      }) : () -> ()
    }
    %scan3A_55 = arith.constant 78 : i32
    "tpu.region"() ({
      %run_scoped3A_61 = tpu.sem_alloc : memref<!tpu.dma_semaphore, #tpu.memory_space<semaphore_mem>>
      %dma_start3A = arith.constant 0 : i32
      %dma_start3A_62 = tpu.memref_slice %arg6[%dma_start3A] : memref<128xf32, #tpu.memory_space<vmem>> -> memref<16xf32, #tpu.memory_space<vmem>>
      %dma_start3A_63 = arith.constant 9984 : i32
      %dma_start3A_64 = tpu.memref_slice %arg5[%dma_start3A_63] : memref<10000xi32, #tpu.memory_space<vmem>> -> memref<16xi32, #tpu.memory_space<vmem>>
      %dma_start3A_65 = arith.constant 0 : i32
      %dma_start3A_66 = tpu.memref_slice %arg7[%dma_start3A_65] : memref<10240xf32, #tpu.memory_space<vmem_shared>> -> memref<10240xf32, #tpu.memory_space<vmem_shared>>
      tpu.enqueue_indirect_dma source(%dma_start3A_62 : memref<16xf32, #tpu.memory_space<vmem>>) target(%dma_start3A_66 : memref<10240xf32, #tpu.memory_space<vmem_shared>>) offsets(%dma_start3A_64 : memref<16xi32, #tpu.memory_space<vmem>>) semaphore(%run_scoped3A_61 : memref<!tpu.dma_semaphore, #tpu.memory_space<semaphore_mem>>) {add = true}
      %dma_wait3A = arith.constant 0 : i32
      %dma_wait3A_67 = tpu.memref_slice %arg6[%dma_wait3A] : memref<128xf32, #tpu.memory_space<vmem>> -> memref<16xf32, #tpu.memory_space<vmem>>
      %dma_wait3A_68 = arith.constant 9984 : i32
      %dma_wait3A_69 = tpu.memref_slice %arg5[%dma_wait3A_68] : memref<10000xi32, #tpu.memory_space<vmem>> -> memref<16xi32, #tpu.memory_space<vmem>>
      %dma_wait3A_70 = arith.constant 0 : i32
      %dma_wait3A_71 = tpu.memref_slice %arg7[%dma_wait3A_70] : memref<10240xf32, #tpu.memory_space<vmem_shared>> -> memref<10240xf32, #tpu.memory_space<vmem_shared>>
      tpu.wait_indirect_dma semaphore(%run_scoped3A_61 : memref<!tpu.dma_semaphore, #tpu.memory_space<semaphore_mem>>) src(%dma_wait3A_67 : memref<16xf32, #tpu.memory_space<vmem>>) dst(%dma_wait3A_71 : memref<10240xf32, #tpu.memory_space<vmem_shared>>)
      tpu.yield
    }) : () -> ()
    %barrier3A_56 = arith.constant 0 : index
    tpu.barrier barrier_id(%barrier3A_56)
    %mul3A_57 = arith.constant 640 : i32
    %mul3A_58 = arith.muli %arg1, %mul3A_57 : i32
    %mul3A_59 = arith.constant 640 : i32
    %mul3A_60 = arith.muli %arg1, %mul3A_59 : i32
    "tpu.region"() ({
      %run_scoped3A_61 = tpu.sem_alloc : memref<!tpu.dma_semaphore, #tpu.memory_space<semaphore_mem>>
      %dma_start3A = tpu.memref_slice %arg4[%arg0, %mul3A_60] : memref<8x10240xf32, #tpu.memory_space<hbm>> -> memref<1x640xf32, #tpu.memory_space<hbm>>
      %dma_start3A_62 = tpu.memref_squeeze %dma_start3A : memref<1x640xf32, #tpu.memory_space<hbm>> -> memref<640xf32, #tpu.memory_space<hbm>>
      %dma_start3A_63 = tpu.memref_slice %arg7[%mul3A_58] : memref<10240xf32, #tpu.memory_space<vmem_shared>> -> memref<640xf32, #tpu.memory_space<vmem_shared>>
      tpu.enqueue_dma source(%dma_start3A_63 : memref<640xf32, #tpu.memory_space<vmem_shared>>) target(%dma_start3A_62 : memref<640xf32, #tpu.memory_space<hbm>>) target_semaphore(%run_scoped3A_61 : memref<!tpu.dma_semaphore, #tpu.memory_space<semaphore_mem>>)
      %dma_wait3A = tpu.memref_slice %arg4[%arg0, %mul3A_60] : memref<8x10240xf32, #tpu.memory_space<hbm>> -> memref<1x640xf32, #tpu.memory_space<hbm>>
      %dma_wait3A_64 = tpu.memref_squeeze %dma_wait3A : memref<1x640xf32, #tpu.memory_space<hbm>> -> memref<640xf32, #tpu.memory_space<hbm>>
      %dma_wait3A_65 = tpu.memref_slice %arg7[%mul3A_58] : memref<10240xf32, #tpu.memory_space<vmem_shared>> -> memref<640xf32, #tpu.memory_space<vmem_shared>>
      tpu.wait_dma2 semaphore(%run_scoped3A_61 : memref<!tpu.dma_semaphore, #tpu.memory_space<semaphore_mem>>) src(%dma_wait3A_65 : memref<640xf32, #tpu.memory_space<vmem_shared>>) dst(%dma_wait3A_64 : memref<640xf32, #tpu.memory_space<hbm>>)
      tpu.yield
    }) : () -> ()
    return
  }
}

#map = affine_map<(d0, d1) -> (0, 0)>
#map1 = affine_map<(d0, d1) -> (0, 0, 0)>
module attributes {stable_mosaic.version = 14 : i64} {
  func.func @sc_scatter(%arg0: i32, %arg1: i32, %arg2: memref<10000x16xf32, #tpu.memory_space<hbm>>, %arg3: memref<2x320000xi32, #tpu.memory_space<hbm>>, %arg4: memref<640x16xf32, #tpu.memory_space<hbm>>, %arg5: memref<2x10240x16xf32, #tpu.memory_space<hbm>>, %arg6: memref<10000xi32, #tpu.memory_space<vmem>>, %arg7: memref<10000xi32, #tpu.memory_space<vmem>>, %arg8: memref<104x16xf32, #tpu.memory_space<vmem>>, %arg9: memref<104x16xf32, #tpu.memory_space<vmem>>, %arg10: memref<16x16xf32, #tpu.memory_space<vmem>>, %arg11: memref<10240x16xf32, #tpu.memory_space<vmem_shared>>, %arg12: memref<!tpu.dma_semaphore, #tpu.memory_space<semaphore_mem>>, %arg13: memref<!tpu.dma_semaphore, #tpu.memory_space<semaphore_mem>>, %arg14: memref<!tpu.dma_semaphore, #tpu.memory_space<semaphore_mem>>, %arg15: memref<!tpu.dma_semaphore, #tpu.memory_space<semaphore_mem>>) attributes {dimension_semantics = [#tpu.dimension_semantics<core_parallel>, #tpu.dimension_semantics<subcore_parallel>], iteration_bounds = array<i64: 2, 16>, scalar_prefetch = 0 : i64, scratch_operands = 10 : i64, tpu.core_type = #tpu.core_type<sc_vector_subcore>, window_params = [{transform_indices = #map}, {transform_indices = #map}, {transform_indices = #map}, {transform_indices = #map1}]} {
    %mul3A = arith.constant 2 : i32
    %mul3A_0 = arith.muli %arg1, %mul3A : i32
    %add3A = arith.addi %mul3A_0, %arg0 : i32
    %mul3A_1 = arith.constant 640 : i32
    %mul3A_2 = arith.muli %arg1, %mul3A_1 : i32
    %dma_start3A = arith.constant 0 : i32
    %dma_start3A_3 = tpu.memref_slice %arg11[%mul3A_2, %dma_start3A] : memref<10240x16xf32, #tpu.memory_space<vmem_shared>> -> memref<640x16xf32, #tpu.memory_space<vmem_shared>>
    tpu.enqueue_dma source(%arg4 : memref<640x16xf32, #tpu.memory_space<hbm>>) target(%dma_start3A_3 : memref<640x16xf32, #tpu.memory_space<vmem_shared>>) target_semaphore(%arg15 : memref<!tpu.dma_semaphore, #tpu.memory_space<semaphore_mem>>)
    %mul3A_4 = arith.constant 10000 : i32
    %mul3A_5 = arith.muli %add3A, %mul3A_4 : i32
    %run_scoped3A = arith.constant 0 : i32
    "tpu.region"() ({
      %run_scoped3A_52 = tpu.sem_alloc : memref<!tpu.dma_semaphore, #tpu.memory_space<semaphore_mem>>
      %dma_start3A_53 = tpu.memref_slice %arg3[%run_scoped3A, %mul3A_5] : memref<2x320000xi32, #tpu.memory_space<hbm>> -> memref<1x10000xi32, #tpu.memory_space<hbm>>
      %dma_start3A_54 = tpu.memref_squeeze %dma_start3A_53 : memref<1x10000xi32, #tpu.memory_space<hbm>> -> memref<10000xi32, #tpu.memory_space<hbm>>
      %dma_start3A_55 = tpu.memref_slice %arg3[%run_scoped3A, %mul3A_5] : memref<2x320000xi32, #tpu.memory_space<hbm>> -> memref<1x10000xi32, #tpu.memory_space<hbm>>
      %dma_start3A_56 = tpu.memref_squeeze %dma_start3A_55 : memref<1x10000xi32, #tpu.memory_space<hbm>> -> memref<10000xi32, #tpu.memory_space<hbm>>
      tpu.enqueue_dma source(%dma_start3A_56 : memref<10000xi32, #tpu.memory_space<hbm>>) target(%arg6 : memref<10000xi32, #tpu.memory_space<vmem>>) target_semaphore(%run_scoped3A_52 : memref<!tpu.dma_semaphore, #tpu.memory_space<semaphore_mem>>)
      %dma_wait3A_57 = tpu.memref_slice %arg3[%run_scoped3A, %mul3A_5] : memref<2x320000xi32, #tpu.memory_space<hbm>> -> memref<1x10000xi32, #tpu.memory_space<hbm>>
      %dma_wait3A_58 = tpu.memref_squeeze %dma_wait3A_57 : memref<1x10000xi32, #tpu.memory_space<hbm>> -> memref<10000xi32, #tpu.memory_space<hbm>>
      %dma_wait3A_59 = tpu.memref_slice %arg3[%run_scoped3A, %mul3A_5] : memref<2x320000xi32, #tpu.memory_space<hbm>> -> memref<1x10000xi32, #tpu.memory_space<hbm>>
      %dma_wait3A_60 = tpu.memref_squeeze %dma_wait3A_59 : memref<1x10000xi32, #tpu.memory_space<hbm>> -> memref<10000xi32, #tpu.memory_space<hbm>>
      tpu.wait_dma2 semaphore(%run_scoped3A_52 : memref<!tpu.dma_semaphore, #tpu.memory_space<semaphore_mem>>) src(%dma_wait3A_60 : memref<10000xi32, #tpu.memory_space<hbm>>) dst(%arg6 : memref<10000xi32, #tpu.memory_space<vmem>>)
      tpu.yield
    }) : () -> ()
    %mul3A_6 = arith.constant 10000 : i32
    %mul3A_7 = arith.muli %add3A, %mul3A_6 : i32
    %run_scoped3A_8 = arith.constant 1 : i32
    "tpu.region"() ({
      %run_scoped3A_52 = tpu.sem_alloc : memref<!tpu.dma_semaphore, #tpu.memory_space<semaphore_mem>>
      %dma_start3A_53 = tpu.memref_slice %arg3[%run_scoped3A_8, %mul3A_7] : memref<2x320000xi32, #tpu.memory_space<hbm>> -> memref<1x10000xi32, #tpu.memory_space<hbm>>
      %dma_start3A_54 = tpu.memref_squeeze %dma_start3A_53 : memref<1x10000xi32, #tpu.memory_space<hbm>> -> memref<10000xi32, #tpu.memory_space<hbm>>
      %dma_start3A_55 = tpu.memref_slice %arg3[%run_scoped3A_8, %mul3A_7] : memref<2x320000xi32, #tpu.memory_space<hbm>> -> memref<1x10000xi32, #tpu.memory_space<hbm>>
      %dma_start3A_56 = tpu.memref_squeeze %dma_start3A_55 : memref<1x10000xi32, #tpu.memory_space<hbm>> -> memref<10000xi32, #tpu.memory_space<hbm>>
      tpu.enqueue_dma source(%dma_start3A_56 : memref<10000xi32, #tpu.memory_space<hbm>>) target(%arg7 : memref<10000xi32, #tpu.memory_space<vmem>>) target_semaphore(%run_scoped3A_52 : memref<!tpu.dma_semaphore, #tpu.memory_space<semaphore_mem>>)
      %dma_wait3A_57 = tpu.memref_slice %arg3[%run_scoped3A_8, %mul3A_7] : memref<2x320000xi32, #tpu.memory_space<hbm>> -> memref<1x10000xi32, #tpu.memory_space<hbm>>
      %dma_wait3A_58 = tpu.memref_squeeze %dma_wait3A_57 : memref<1x10000xi32, #tpu.memory_space<hbm>> -> memref<10000xi32, #tpu.memory_space<hbm>>
      %dma_wait3A_59 = tpu.memref_slice %arg3[%run_scoped3A_8, %mul3A_7] : memref<2x320000xi32, #tpu.memory_space<hbm>> -> memref<1x10000xi32, #tpu.memory_space<hbm>>
      %dma_wait3A_60 = tpu.memref_squeeze %dma_wait3A_59 : memref<1x10000xi32, #tpu.memory_space<hbm>> -> memref<10000xi32, #tpu.memory_space<hbm>>
      tpu.wait_dma2 semaphore(%run_scoped3A_52 : memref<!tpu.dma_semaphore, #tpu.memory_space<semaphore_mem>>) src(%dma_wait3A_60 : memref<10000xi32, #tpu.memory_space<hbm>>) dst(%arg7 : memref<10000xi32, #tpu.memory_space<vmem>>)
      tpu.yield
    }) : () -> ()
    %dma_start3A_9 = arith.constant 0 : i32
    %dma_start3A_10 = tpu.memref_slice %arg6[%dma_start3A_9] : memref<10000xi32, #tpu.memory_space<vmem>> -> memref<104xi32, #tpu.memory_space<vmem>>
    %dma_start3A_11 = arith.constant 0 : i32
    %dma_start3A_12 = arith.constant 0 : i32
    %dma_start3A_13 = tpu.memref_slice %arg2[%dma_start3A_11, %dma_start3A_12] : memref<10000x16xf32, #tpu.memory_space<hbm>> -> memref<10000x16xf32, #tpu.memory_space<hbm>>
    tpu.enqueue_indirect_dma source(%dma_start3A_13 : memref<10000x16xf32, #tpu.memory_space<hbm>>) target(%arg8 : memref<104x16xf32, #tpu.memory_space<vmem>>) offsets(%dma_start3A_10 : memref<104xi32, #tpu.memory_space<vmem>>) semaphore(%arg12 : memref<!tpu.dma_semaphore, #tpu.memory_space<semaphore_mem>>)
    %dma_start3A_14 = arith.constant 104 : i32
    %dma_start3A_15 = tpu.memref_slice %arg6[%dma_start3A_14] : memref<10000xi32, #tpu.memory_space<vmem>> -> memref<104xi32, #tpu.memory_space<vmem>>
    %dma_start3A_16 = arith.constant 0 : i32
    %dma_start3A_17 = arith.constant 0 : i32
    %dma_start3A_18 = tpu.memref_slice %arg2[%dma_start3A_16, %dma_start3A_17] : memref<10000x16xf32, #tpu.memory_space<hbm>> -> memref<10000x16xf32, #tpu.memory_space<hbm>>
    tpu.enqueue_indirect_dma source(%dma_start3A_18 : memref<10000x16xf32, #tpu.memory_space<hbm>>) target(%arg9 : memref<104x16xf32, #tpu.memory_space<vmem>>) offsets(%dma_start3A_15 : memref<104xi32, #tpu.memory_space<vmem>>) semaphore(%arg13 : memref<!tpu.dma_semaphore, #tpu.memory_space<semaphore_mem>>)
    %dma_start3A_19 = arith.constant 9984 : i32
    %dma_start3A_20 = tpu.memref_slice %arg6[%dma_start3A_19] : memref<10000xi32, #tpu.memory_space<vmem>> -> memref<16xi32, #tpu.memory_space<vmem>>
    %dma_start3A_21 = arith.constant 0 : i32
    %dma_start3A_22 = arith.constant 0 : i32
    %dma_start3A_23 = tpu.memref_slice %arg2[%dma_start3A_21, %dma_start3A_22] : memref<10000x16xf32, #tpu.memory_space<hbm>> -> memref<10000x16xf32, #tpu.memory_space<hbm>>
    tpu.enqueue_indirect_dma source(%dma_start3A_23 : memref<10000x16xf32, #tpu.memory_space<hbm>>) target(%arg10 : memref<16x16xf32, #tpu.memory_space<vmem>>) offsets(%dma_start3A_20 : memref<16xi32, #tpu.memory_space<vmem>>) semaphore(%arg14 : memref<!tpu.dma_semaphore, #tpu.memory_space<semaphore_mem>>)
    %mul3A_24 = arith.constant 640 : i32
    %mul3A_25 = arith.muli %arg1, %mul3A_24 : i32
    %dma_wait3A = arith.constant 0 : i32
    %dma_wait3A_26 = tpu.memref_slice %arg11[%mul3A_25, %dma_wait3A] : memref<10240x16xf32, #tpu.memory_space<vmem_shared>> -> memref<640x16xf32, #tpu.memory_space<vmem_shared>>
    tpu.wait_dma2 semaphore(%arg15 : memref<!tpu.dma_semaphore, #tpu.memory_space<semaphore_mem>>) src(%arg4 : memref<640x16xf32, #tpu.memory_space<hbm>>) dst(%dma_wait3A_26 : memref<640x16xf32, #tpu.memory_space<vmem_shared>>)
    %barrier3A = arith.constant 0 : index
    tpu.barrier barrier_id(%barrier3A)
    %scan3A = arith.constant 0 : i32
    %scan3A_27 = arith.constant 0 : i32
    %scan3A_28 = arith.constant 47 : i32
    %scan3A_29 = arith.addi %scan3A_27, %scan3A_28 : i32
    %scan3A_30 = arith.constant 1 : i32
    scf.for %scan3A_52 = %scan3A_27 to %scan3A_29 step %scan3A_30  : i32 {
      %mul3A_53 = arith.constant 2 : i32
      %mul3A_54 = arith.muli %mul3A_53, %scan3A_52 : i32
      %mul3A_55 = arith.constant 104 : i32
      %mul3A_56 = arith.muli %mul3A_54, %mul3A_55 : i32
      %dma_wait3A_57 = tpu.memref_slice %arg6[%mul3A_56] : memref<10000xi32, #tpu.memory_space<vmem>> -> memref<104xi32, #tpu.memory_space<vmem>>
      %dma_wait3A_58 = arith.constant 0 : i32
      %dma_wait3A_59 = arith.constant 0 : i32
      %dma_wait3A_60 = tpu.memref_slice %arg2[%dma_wait3A_58, %dma_wait3A_59] : memref<10000x16xf32, #tpu.memory_space<hbm>> -> memref<10000x16xf32, #tpu.memory_space<hbm>>
      tpu.wait_indirect_dma semaphore(%arg12 : memref<!tpu.dma_semaphore, #tpu.memory_space<semaphore_mem>>) src(%dma_wait3A_60 : memref<10000x16xf32, #tpu.memory_space<hbm>>) dst(%arg8 : memref<104x16xf32, #tpu.memory_space<vmem>>)
      %mul3A_61 = arith.constant 104 : i32
      %mul3A_62 = arith.muli %mul3A_54, %mul3A_61 : i32
      "tpu.region"() ({
        %run_scoped3A_91 = tpu.sem_alloc : memref<!tpu.dma_semaphore, #tpu.memory_space<semaphore_mem>>
        %dma_start3A_92 = tpu.memref_slice %arg7[%mul3A_62] : memref<10000xi32, #tpu.memory_space<vmem>> -> memref<104xi32, #tpu.memory_space<vmem>>
        %dma_start3A_93 = arith.constant 0 : i32
        %dma_start3A_94 = arith.constant 0 : i32
        %dma_start3A_95 = tpu.memref_slice %arg11[%dma_start3A_93, %dma_start3A_94] : memref<10240x16xf32, #tpu.memory_space<vmem_shared>> -> memref<10240x16xf32, #tpu.memory_space<vmem_shared>>
        tpu.enqueue_indirect_dma source(%arg8 : memref<104x16xf32, #tpu.memory_space<vmem>>) target(%dma_start3A_95 : memref<10240x16xf32, #tpu.memory_space<vmem_shared>>) offsets(%dma_start3A_92 : memref<104xi32, #tpu.memory_space<vmem>>) semaphore(%run_scoped3A_91 : memref<!tpu.dma_semaphore, #tpu.memory_space<semaphore_mem>>) {add = true}
        %dma_wait3A_96 = tpu.memref_slice %arg7[%mul3A_62] : memref<10000xi32, #tpu.memory_space<vmem>> -> memref<104xi32, #tpu.memory_space<vmem>>
        %dma_wait3A_97 = arith.constant 0 : i32
        %dma_wait3A_98 = arith.constant 0 : i32
        %dma_wait3A_99 = tpu.memref_slice %arg11[%dma_wait3A_97, %dma_wait3A_98] : memref<10240x16xf32, #tpu.memory_space<vmem_shared>> -> memref<10240x16xf32, #tpu.memory_space<vmem_shared>>
        tpu.wait_indirect_dma semaphore(%run_scoped3A_91 : memref<!tpu.dma_semaphore, #tpu.memory_space<semaphore_mem>>) src(%arg8 : memref<104x16xf32, #tpu.memory_space<vmem>>) dst(%dma_wait3A_99 : memref<10240x16xf32, #tpu.memory_space<vmem_shared>>)
        tpu.yield
      }) : () -> ()
      %add3A_63 = arith.constant 2 : i32
      %add3A_64 = arith.addi %mul3A_54, %add3A_63 : i32
      %mul3A_65 = arith.constant 104 : i32
      %mul3A_66 = arith.muli %add3A_64, %mul3A_65 : i32
      %dma_start3A_67 = tpu.memref_slice %arg6[%mul3A_66] : memref<10000xi32, #tpu.memory_space<vmem>> -> memref<104xi32, #tpu.memory_space<vmem>>
      %dma_start3A_68 = arith.constant 0 : i32
      %dma_start3A_69 = arith.constant 0 : i32
      %dma_start3A_70 = tpu.memref_slice %arg2[%dma_start3A_68, %dma_start3A_69] : memref<10000x16xf32, #tpu.memory_space<hbm>> -> memref<10000x16xf32, #tpu.memory_space<hbm>>
      tpu.enqueue_indirect_dma source(%dma_start3A_70 : memref<10000x16xf32, #tpu.memory_space<hbm>>) target(%arg8 : memref<104x16xf32, #tpu.memory_space<vmem>>) offsets(%dma_start3A_67 : memref<104xi32, #tpu.memory_space<vmem>>) semaphore(%arg12 : memref<!tpu.dma_semaphore, #tpu.memory_space<semaphore_mem>>)
      %add3A_71 = arith.constant 1 : i32
      %add3A_72 = arith.addi %mul3A_54, %add3A_71 : i32
      %mul3A_73 = arith.constant 104 : i32
      %mul3A_74 = arith.muli %add3A_72, %mul3A_73 : i32
      %dma_wait3A_75 = tpu.memref_slice %arg6[%mul3A_74] : memref<10000xi32, #tpu.memory_space<vmem>> -> memref<104xi32, #tpu.memory_space<vmem>>
      %dma_wait3A_76 = arith.constant 0 : i32
      %dma_wait3A_77 = arith.constant 0 : i32
      %dma_wait3A_78 = tpu.memref_slice %arg2[%dma_wait3A_76, %dma_wait3A_77] : memref<10000x16xf32, #tpu.memory_space<hbm>> -> memref<10000x16xf32, #tpu.memory_space<hbm>>
      tpu.wait_indirect_dma semaphore(%arg13 : memref<!tpu.dma_semaphore, #tpu.memory_space<semaphore_mem>>) src(%dma_wait3A_78 : memref<10000x16xf32, #tpu.memory_space<hbm>>) dst(%arg9 : memref<104x16xf32, #tpu.memory_space<vmem>>)
      %add3A_79 = arith.constant 1 : i32
      %add3A_80 = arith.addi %mul3A_54, %add3A_79 : i32
      %mul3A_81 = arith.constant 104 : i32
      %mul3A_82 = arith.muli %add3A_80, %mul3A_81 : i32
      "tpu.region"() ({
        %run_scoped3A_91 = tpu.sem_alloc : memref<!tpu.dma_semaphore, #tpu.memory_space<semaphore_mem>>
        %dma_start3A_92 = tpu.memref_slice %arg7[%mul3A_82] : memref<10000xi32, #tpu.memory_space<vmem>> -> memref<104xi32, #tpu.memory_space<vmem>>
        %dma_start3A_93 = arith.constant 0 : i32
        %dma_start3A_94 = arith.constant 0 : i32
        %dma_start3A_95 = tpu.memref_slice %arg11[%dma_start3A_93, %dma_start3A_94] : memref<10240x16xf32, #tpu.memory_space<vmem_shared>> -> memref<10240x16xf32, #tpu.memory_space<vmem_shared>>
        tpu.enqueue_indirect_dma source(%arg9 : memref<104x16xf32, #tpu.memory_space<vmem>>) target(%dma_start3A_95 : memref<10240x16xf32, #tpu.memory_space<vmem_shared>>) offsets(%dma_start3A_92 : memref<104xi32, #tpu.memory_space<vmem>>) semaphore(%run_scoped3A_91 : memref<!tpu.dma_semaphore, #tpu.memory_space<semaphore_mem>>) {add = true}
        %dma_wait3A_96 = tpu.memref_slice %arg7[%mul3A_82] : memref<10000xi32, #tpu.memory_space<vmem>> -> memref<104xi32, #tpu.memory_space<vmem>>
        %dma_wait3A_97 = arith.constant 0 : i32
        %dma_wait3A_98 = arith.constant 0 : i32
        %dma_wait3A_99 = tpu.memref_slice %arg11[%dma_wait3A_97, %dma_wait3A_98] : memref<10240x16xf32, #tpu.memory_space<vmem_shared>> -> memref<10240x16xf32, #tpu.memory_space<vmem_shared>>
        tpu.wait_indirect_dma semaphore(%run_scoped3A_91 : memref<!tpu.dma_semaphore, #tpu.memory_space<semaphore_mem>>) src(%arg9 : memref<104x16xf32, #tpu.memory_space<vmem>>) dst(%dma_wait3A_99 : memref<10240x16xf32, #tpu.memory_space<vmem_shared>>)
        tpu.yield
      }) : () -> ()
      %add3A_83 = arith.constant 3 : i32
      %add3A_84 = arith.addi %mul3A_54, %add3A_83 : i32
      %mul3A_85 = arith.constant 104 : i32
      %mul3A_86 = arith.muli %add3A_84, %mul3A_85 : i32
      %dma_start3A_87 = tpu.memref_slice %arg6[%mul3A_86] : memref<10000xi32, #tpu.memory_space<vmem>> -> memref<104xi32, #tpu.memory_space<vmem>>
      %dma_start3A_88 = arith.constant 0 : i32
      %dma_start3A_89 = arith.constant 0 : i32
      %dma_start3A_90 = tpu.memref_slice %arg2[%dma_start3A_88, %dma_start3A_89] : memref<10000x16xf32, #tpu.memory_space<hbm>> -> memref<10000x16xf32, #tpu.memory_space<hbm>>
      tpu.enqueue_indirect_dma source(%dma_start3A_90 : memref<10000x16xf32, #tpu.memory_space<hbm>>) target(%arg9 : memref<104x16xf32, #tpu.memory_space<vmem>>) offsets(%dma_start3A_87 : memref<104xi32, #tpu.memory_space<vmem>>) semaphore(%arg13 : memref<!tpu.dma_semaphore, #tpu.memory_space<semaphore_mem>>)
    }
    %scan3A_31 = arith.constant 47 : i32
    %dma_wait3A_32 = arith.constant 9776 : i32
    %dma_wait3A_33 = tpu.memref_slice %arg6[%dma_wait3A_32] : memref<10000xi32, #tpu.memory_space<vmem>> -> memref<104xi32, #tpu.memory_space<vmem>>
    %dma_wait3A_34 = arith.constant 0 : i32
    %dma_wait3A_35 = arith.constant 0 : i32
    %dma_wait3A_36 = tpu.memref_slice %arg2[%dma_wait3A_34, %dma_wait3A_35] : memref<10000x16xf32, #tpu.memory_space<hbm>> -> memref<10000x16xf32, #tpu.memory_space<hbm>>
    tpu.wait_indirect_dma semaphore(%arg12 : memref<!tpu.dma_semaphore, #tpu.memory_space<semaphore_mem>>) src(%dma_wait3A_36 : memref<10000x16xf32, #tpu.memory_space<hbm>>) dst(%arg8 : memref<104x16xf32, #tpu.memory_space<vmem>>)
    "tpu.region"() ({
      %run_scoped3A_52 = tpu.sem_alloc : memref<!tpu.dma_semaphore, #tpu.memory_space<semaphore_mem>>
      %dma_start3A_53 = arith.constant 9776 : i32
      %dma_start3A_54 = tpu.memref_slice %arg7[%dma_start3A_53] : memref<10000xi32, #tpu.memory_space<vmem>> -> memref<104xi32, #tpu.memory_space<vmem>>
      %dma_start3A_55 = arith.constant 0 : i32
      %dma_start3A_56 = arith.constant 0 : i32
      %dma_start3A_57 = tpu.memref_slice %arg11[%dma_start3A_55, %dma_start3A_56] : memref<10240x16xf32, #tpu.memory_space<vmem_shared>> -> memref<10240x16xf32, #tpu.memory_space<vmem_shared>>
      tpu.enqueue_indirect_dma source(%arg8 : memref<104x16xf32, #tpu.memory_space<vmem>>) target(%dma_start3A_57 : memref<10240x16xf32, #tpu.memory_space<vmem_shared>>) offsets(%dma_start3A_54 : memref<104xi32, #tpu.memory_space<vmem>>) semaphore(%run_scoped3A_52 : memref<!tpu.dma_semaphore, #tpu.memory_space<semaphore_mem>>) {add = true}
      %dma_wait3A_58 = arith.constant 9776 : i32
      %dma_wait3A_59 = tpu.memref_slice %arg7[%dma_wait3A_58] : memref<10000xi32, #tpu.memory_space<vmem>> -> memref<104xi32, #tpu.memory_space<vmem>>
      %dma_wait3A_60 = arith.constant 0 : i32
      %dma_wait3A_61 = arith.constant 0 : i32
      %dma_wait3A_62 = tpu.memref_slice %arg11[%dma_wait3A_60, %dma_wait3A_61] : memref<10240x16xf32, #tpu.memory_space<vmem_shared>> -> memref<10240x16xf32, #tpu.memory_space<vmem_shared>>
      tpu.wait_indirect_dma semaphore(%run_scoped3A_52 : memref<!tpu.dma_semaphore, #tpu.memory_space<semaphore_mem>>) src(%arg8 : memref<104x16xf32, #tpu.memory_space<vmem>>) dst(%dma_wait3A_62 : memref<10240x16xf32, #tpu.memory_space<vmem_shared>>)
      tpu.yield
    }) : () -> ()
    %dma_wait3A_37 = arith.constant 9880 : i32
    %dma_wait3A_38 = tpu.memref_slice %arg6[%dma_wait3A_37] : memref<10000xi32, #tpu.memory_space<vmem>> -> memref<104xi32, #tpu.memory_space<vmem>>
    %dma_wait3A_39 = arith.constant 0 : i32
    %dma_wait3A_40 = arith.constant 0 : i32
    %dma_wait3A_41 = tpu.memref_slice %arg2[%dma_wait3A_39, %dma_wait3A_40] : memref<10000x16xf32, #tpu.memory_space<hbm>> -> memref<10000x16xf32, #tpu.memory_space<hbm>>
    tpu.wait_indirect_dma semaphore(%arg13 : memref<!tpu.dma_semaphore, #tpu.memory_space<semaphore_mem>>) src(%dma_wait3A_41 : memref<10000x16xf32, #tpu.memory_space<hbm>>) dst(%arg9 : memref<104x16xf32, #tpu.memory_space<vmem>>)
    "tpu.region"() ({
      %run_scoped3A_52 = tpu.sem_alloc : memref<!tpu.dma_semaphore, #tpu.memory_space<semaphore_mem>>
      %dma_start3A_53 = arith.constant 9880 : i32
      %dma_start3A_54 = tpu.memref_slice %arg7[%dma_start3A_53] : memref<10000xi32, #tpu.memory_space<vmem>> -> memref<104xi32, #tpu.memory_space<vmem>>
      %dma_start3A_55 = arith.constant 0 : i32
      %dma_start3A_56 = arith.constant 0 : i32
      %dma_start3A_57 = tpu.memref_slice %arg11[%dma_start3A_55, %dma_start3A_56] : memref<10240x16xf32, #tpu.memory_space<vmem_shared>> -> memref<10240x16xf32, #tpu.memory_space<vmem_shared>>
      tpu.enqueue_indirect_dma source(%arg9 : memref<104x16xf32, #tpu.memory_space<vmem>>) target(%dma_start3A_57 : memref<10240x16xf32, #tpu.memory_space<vmem_shared>>) offsets(%dma_start3A_54 : memref<104xi32, #tpu.memory_space<vmem>>) semaphore(%run_scoped3A_52 : memref<!tpu.dma_semaphore, #tpu.memory_space<semaphore_mem>>) {add = true}
      %dma_wait3A_58 = arith.constant 9880 : i32
      %dma_wait3A_59 = tpu.memref_slice %arg7[%dma_wait3A_58] : memref<10000xi32, #tpu.memory_space<vmem>> -> memref<104xi32, #tpu.memory_space<vmem>>
      %dma_wait3A_60 = arith.constant 0 : i32
      %dma_wait3A_61 = arith.constant 0 : i32
      %dma_wait3A_62 = tpu.memref_slice %arg11[%dma_wait3A_60, %dma_wait3A_61] : memref<10240x16xf32, #tpu.memory_space<vmem_shared>> -> memref<10240x16xf32, #tpu.memory_space<vmem_shared>>
      tpu.wait_indirect_dma semaphore(%run_scoped3A_52 : memref<!tpu.dma_semaphore, #tpu.memory_space<semaphore_mem>>) src(%arg9 : memref<104x16xf32, #tpu.memory_space<vmem>>) dst(%dma_wait3A_62 : memref<10240x16xf32, #tpu.memory_space<vmem_shared>>)
      tpu.yield
    }) : () -> ()
    %dma_wait3A_42 = arith.constant 9984 : i32
    %dma_wait3A_43 = tpu.memref_slice %arg6[%dma_wait3A_42] : memref<10000xi32, #tpu.memory_space<vmem>> -> memref<16xi32, #tpu.memory_space<vmem>>
    %dma_wait3A_44 = arith.constant 0 : i32
    %dma_wait3A_45 = arith.constant 0 : i32
    %dma_wait3A_46 = tpu.memref_slice %arg2[%dma_wait3A_44, %dma_wait3A_45] : memref<10000x16xf32, #tpu.memory_space<hbm>> -> memref<10000x16xf32, #tpu.memory_space<hbm>>
    tpu.wait_indirect_dma semaphore(%arg14 : memref<!tpu.dma_semaphore, #tpu.memory_space<semaphore_mem>>) src(%dma_wait3A_46 : memref<10000x16xf32, #tpu.memory_space<hbm>>) dst(%arg10 : memref<16x16xf32, #tpu.memory_space<vmem>>)
    "tpu.region"() ({
      %run_scoped3A_52 = tpu.sem_alloc : memref<!tpu.dma_semaphore, #tpu.memory_space<semaphore_mem>>
      %dma_start3A_53 = arith.constant 9984 : i32
      %dma_start3A_54 = tpu.memref_slice %arg7[%dma_start3A_53] : memref<10000xi32, #tpu.memory_space<vmem>> -> memref<16xi32, #tpu.memory_space<vmem>>
      %dma_start3A_55 = arith.constant 0 : i32
      %dma_start3A_56 = arith.constant 0 : i32
      %dma_start3A_57 = tpu.memref_slice %arg11[%dma_start3A_55, %dma_start3A_56] : memref<10240x16xf32, #tpu.memory_space<vmem_shared>> -> memref<10240x16xf32, #tpu.memory_space<vmem_shared>>
      tpu.enqueue_indirect_dma source(%arg10 : memref<16x16xf32, #tpu.memory_space<vmem>>) target(%dma_start3A_57 : memref<10240x16xf32, #tpu.memory_space<vmem_shared>>) offsets(%dma_start3A_54 : memref<16xi32, #tpu.memory_space<vmem>>) semaphore(%run_scoped3A_52 : memref<!tpu.dma_semaphore, #tpu.memory_space<semaphore_mem>>) {add = true}
      %dma_wait3A_58 = arith.constant 9984 : i32
      %dma_wait3A_59 = tpu.memref_slice %arg7[%dma_wait3A_58] : memref<10000xi32, #tpu.memory_space<vmem>> -> memref<16xi32, #tpu.memory_space<vmem>>
      %dma_wait3A_60 = arith.constant 0 : i32
      %dma_wait3A_61 = arith.constant 0 : i32
      %dma_wait3A_62 = tpu.memref_slice %arg11[%dma_wait3A_60, %dma_wait3A_61] : memref<10240x16xf32, #tpu.memory_space<vmem_shared>> -> memref<10240x16xf32, #tpu.memory_space<vmem_shared>>
      tpu.wait_indirect_dma semaphore(%run_scoped3A_52 : memref<!tpu.dma_semaphore, #tpu.memory_space<semaphore_mem>>) src(%arg10 : memref<16x16xf32, #tpu.memory_space<vmem>>) dst(%dma_wait3A_62 : memref<10240x16xf32, #tpu.memory_space<vmem_shared>>)
      tpu.yield
    }) : () -> ()
    %barrier3A_47 = arith.constant 0 : index
    tpu.barrier barrier_id(%barrier3A_47)
    %mul3A_48 = arith.constant 640 : i32
    %mul3A_49 = arith.muli %arg1, %mul3A_48 : i32
    %mul3A_50 = arith.constant 640 : i32
    %mul3A_51 = arith.muli %arg1, %mul3A_50 : i32
    "tpu.region"() ({
      %run_scoped3A_52 = tpu.sem_alloc : memref<!tpu.dma_semaphore, #tpu.memory_space<semaphore_mem>>
      %dma_start3A_53 = arith.constant 0 : i32
      %dma_start3A_54 = tpu.memref_slice %arg5[%arg0, %mul3A_51, %dma_start3A_53] : memref<2x10240x16xf32, #tpu.memory_space<hbm>> -> memref<1x640x16xf32, #tpu.memory_space<hbm>>
      %dma_start3A_55 = tpu.memref_squeeze %dma_start3A_54 : memref<1x640x16xf32, #tpu.memory_space<hbm>> -> memref<640x16xf32, #tpu.memory_space<hbm>>
      %dma_start3A_56 = arith.constant 0 : i32
      %dma_start3A_57 = tpu.memref_slice %arg11[%mul3A_49, %dma_start3A_56] : memref<10240x16xf32, #tpu.memory_space<vmem_shared>> -> memref<640x16xf32, #tpu.memory_space<vmem_shared>>
      tpu.enqueue_dma source(%dma_start3A_57 : memref<640x16xf32, #tpu.memory_space<vmem_shared>>) target(%dma_start3A_55 : memref<640x16xf32, #tpu.memory_space<hbm>>) target_semaphore(%run_scoped3A_52 : memref<!tpu.dma_semaphore, #tpu.memory_space<semaphore_mem>>)
      %dma_wait3A_58 = arith.constant 0 : i32
      %dma_wait3A_59 = tpu.memref_slice %arg5[%arg0, %mul3A_51, %dma_wait3A_58] : memref<2x10240x16xf32, #tpu.memory_space<hbm>> -> memref<1x640x16xf32, #tpu.memory_space<hbm>>
      %dma_wait3A_60 = tpu.memref_squeeze %dma_wait3A_59 : memref<1x640x16xf32, #tpu.memory_space<hbm>> -> memref<640x16xf32, #tpu.memory_space<hbm>>
      %dma_wait3A_61 = arith.constant 0 : i32
      %dma_wait3A_62 = tpu.memref_slice %arg11[%mul3A_49, %dma_wait3A_61] : memref<10240x16xf32, #tpu.memory_space<vmem_shared>> -> memref<640x16xf32, #tpu.memory_space<vmem_shared>>
      tpu.wait_dma2 semaphore(%run_scoped3A_52 : memref<!tpu.dma_semaphore, #tpu.memory_space<semaphore_mem>>) src(%dma_wait3A_62 : memref<640x16xf32, #tpu.memory_space<vmem_shared>>) dst(%dma_wait3A_60 : memref<640x16xf32, #tpu.memory_space<hbm>>)
      tpu.yield
    }) : () -> ()
    return
  }
}

#map = affine_map<(d0, d1) -> (0, 0)>
#map1 = affine_map<(d0, d1) -> (0, 0, 0)>
module attributes {stable_mosaic.version = 14 : i64} {
  func.func @sc_scatter(%arg0: i32, %arg1: i32, %arg2: memref<10000x128xf32, #tpu.memory_space<hbm>>, %arg3: memref<2x320000xi32, #tpu.memory_space<hbm>>, %arg4: memref<640x128xf32, #tpu.memory_space<hbm>>, %arg5: memref<2x10240x128xf32, #tpu.memory_space<hbm>>, %arg6: memref<10000xi32, #tpu.memory_space<vmem>>, %arg7: memref<10000xi32, #tpu.memory_space<vmem>>, %arg8: memref<104x128xf32, #tpu.memory_space<vmem>>, %arg9: memref<104x128xf32, #tpu.memory_space<vmem>>, %arg10: memref<16x128xf32, #tpu.memory_space<vmem>>, %arg11: memref<10240x128xf32, #tpu.memory_space<vmem_shared>>, %arg12: memref<!tpu.dma_semaphore, #tpu.memory_space<semaphore_mem>>, %arg13: memref<!tpu.dma_semaphore, #tpu.memory_space<semaphore_mem>>, %arg14: memref<!tpu.dma_semaphore, #tpu.memory_space<semaphore_mem>>, %arg15: memref<!tpu.dma_semaphore, #tpu.memory_space<semaphore_mem>>) attributes {dimension_semantics = [#tpu.dimension_semantics<core_parallel>, #tpu.dimension_semantics<subcore_parallel>], iteration_bounds = array<i64: 2, 16>, scalar_prefetch = 0 : i64, scratch_operands = 10 : i64, tpu.core_type = #tpu.core_type<sc_vector_subcore>, window_params = [{transform_indices = #map}, {transform_indices = #map}, {transform_indices = #map}, {transform_indices = #map1}]} {
    %mul3A = arith.constant 2 : i32
    %mul3A_0 = arith.muli %arg1, %mul3A : i32
    %add3A = arith.addi %mul3A_0, %arg0 : i32
    %mul3A_1 = arith.constant 640 : i32
    %mul3A_2 = arith.muli %arg1, %mul3A_1 : i32
    %dma_start3A = arith.constant 0 : i32
    %dma_start3A_3 = tpu.memref_slice %arg11[%mul3A_2, %dma_start3A] : memref<10240x128xf32, #tpu.memory_space<vmem_shared>> -> memref<640x128xf32, #tpu.memory_space<vmem_shared>>
    tpu.enqueue_dma source(%arg4 : memref<640x128xf32, #tpu.memory_space<hbm>>) target(%dma_start3A_3 : memref<640x128xf32, #tpu.memory_space<vmem_shared>>) target_semaphore(%arg15 : memref<!tpu.dma_semaphore, #tpu.memory_space<semaphore_mem>>)
    %mul3A_4 = arith.constant 10000 : i32
    %mul3A_5 = arith.muli %add3A, %mul3A_4 : i32
    %run_scoped3A = arith.constant 0 : i32
    "tpu.region"() ({
      %run_scoped3A_52 = tpu.sem_alloc : memref<!tpu.dma_semaphore, #tpu.memory_space<semaphore_mem>>
      %dma_start3A_53 = tpu.memref_slice %arg3[%run_scoped3A, %mul3A_5] : memref<2x320000xi32, #tpu.memory_space<hbm>> -> memref<1x10000xi32, #tpu.memory_space<hbm>>
      %dma_start3A_54 = tpu.memref_squeeze %dma_start3A_53 : memref<1x10000xi32, #tpu.memory_space<hbm>> -> memref<10000xi32, #tpu.memory_space<hbm>>
      %dma_start3A_55 = tpu.memref_slice %arg3[%run_scoped3A, %mul3A_5] : memref<2x320000xi32, #tpu.memory_space<hbm>> -> memref<1x10000xi32, #tpu.memory_space<hbm>>
      %dma_start3A_56 = tpu.memref_squeeze %dma_start3A_55 : memref<1x10000xi32, #tpu.memory_space<hbm>> -> memref<10000xi32, #tpu.memory_space<hbm>>
      tpu.enqueue_dma source(%dma_start3A_56 : memref<10000xi32, #tpu.memory_space<hbm>>) target(%arg6 : memref<10000xi32, #tpu.memory_space<vmem>>) target_semaphore(%run_scoped3A_52 : memref<!tpu.dma_semaphore, #tpu.memory_space<semaphore_mem>>)
      %dma_wait3A_57 = tpu.memref_slice %arg3[%run_scoped3A, %mul3A_5] : memref<2x320000xi32, #tpu.memory_space<hbm>> -> memref<1x10000xi32, #tpu.memory_space<hbm>>
      %dma_wait3A_58 = tpu.memref_squeeze %dma_wait3A_57 : memref<1x10000xi32, #tpu.memory_space<hbm>> -> memref<10000xi32, #tpu.memory_space<hbm>>
      %dma_wait3A_59 = tpu.memref_slice %arg3[%run_scoped3A, %mul3A_5] : memref<2x320000xi32, #tpu.memory_space<hbm>> -> memref<1x10000xi32, #tpu.memory_space<hbm>>
      %dma_wait3A_60 = tpu.memref_squeeze %dma_wait3A_59 : memref<1x10000xi32, #tpu.memory_space<hbm>> -> memref<10000xi32, #tpu.memory_space<hbm>>
      tpu.wait_dma2 semaphore(%run_scoped3A_52 : memref<!tpu.dma_semaphore, #tpu.memory_space<semaphore_mem>>) src(%dma_wait3A_60 : memref<10000xi32, #tpu.memory_space<hbm>>) dst(%arg6 : memref<10000xi32, #tpu.memory_space<vmem>>)
      tpu.yield
    }) : () -> ()
    %mul3A_6 = arith.constant 10000 : i32
    %mul3A_7 = arith.muli %add3A, %mul3A_6 : i32
    %run_scoped3A_8 = arith.constant 1 : i32
    "tpu.region"() ({
      %run_scoped3A_52 = tpu.sem_alloc : memref<!tpu.dma_semaphore, #tpu.memory_space<semaphore_mem>>
      %dma_start3A_53 = tpu.memref_slice %arg3[%run_scoped3A_8, %mul3A_7] : memref<2x320000xi32, #tpu.memory_space<hbm>> -> memref<1x10000xi32, #tpu.memory_space<hbm>>
      %dma_start3A_54 = tpu.memref_squeeze %dma_start3A_53 : memref<1x10000xi32, #tpu.memory_space<hbm>> -> memref<10000xi32, #tpu.memory_space<hbm>>
      %dma_start3A_55 = tpu.memref_slice %arg3[%run_scoped3A_8, %mul3A_7] : memref<2x320000xi32, #tpu.memory_space<hbm>> -> memref<1x10000xi32, #tpu.memory_space<hbm>>
      %dma_start3A_56 = tpu.memref_squeeze %dma_start3A_55 : memref<1x10000xi32, #tpu.memory_space<hbm>> -> memref<10000xi32, #tpu.memory_space<hbm>>
      tpu.enqueue_dma source(%dma_start3A_56 : memref<10000xi32, #tpu.memory_space<hbm>>) target(%arg7 : memref<10000xi32, #tpu.memory_space<vmem>>) target_semaphore(%run_scoped3A_52 : memref<!tpu.dma_semaphore, #tpu.memory_space<semaphore_mem>>)
      %dma_wait3A_57 = tpu.memref_slice %arg3[%run_scoped3A_8, %mul3A_7] : memref<2x320000xi32, #tpu.memory_space<hbm>> -> memref<1x10000xi32, #tpu.memory_space<hbm>>
      %dma_wait3A_58 = tpu.memref_squeeze %dma_wait3A_57 : memref<1x10000xi32, #tpu.memory_space<hbm>> -> memref<10000xi32, #tpu.memory_space<hbm>>
      %dma_wait3A_59 = tpu.memref_slice %arg3[%run_scoped3A_8, %mul3A_7] : memref<2x320000xi32, #tpu.memory_space<hbm>> -> memref<1x10000xi32, #tpu.memory_space<hbm>>
      %dma_wait3A_60 = tpu.memref_squeeze %dma_wait3A_59 : memref<1x10000xi32, #tpu.memory_space<hbm>> -> memref<10000xi32, #tpu.memory_space<hbm>>
      tpu.wait_dma2 semaphore(%run_scoped3A_52 : memref<!tpu.dma_semaphore, #tpu.memory_space<semaphore_mem>>) src(%dma_wait3A_60 : memref<10000xi32, #tpu.memory_space<hbm>>) dst(%arg7 : memref<10000xi32, #tpu.memory_space<vmem>>)
      tpu.yield
    }) : () -> ()
    %dma_start3A_9 = arith.constant 0 : i32
    %dma_start3A_10 = tpu.memref_slice %arg6[%dma_start3A_9] : memref<10000xi32, #tpu.memory_space<vmem>> -> memref<104xi32, #tpu.memory_space<vmem>>
    %dma_start3A_11 = arith.constant 0 : i32
    %dma_start3A_12 = arith.constant 0 : i32
    %dma_start3A_13 = tpu.memref_slice %arg2[%dma_start3A_11, %dma_start3A_12] : memref<10000x128xf32, #tpu.memory_space<hbm>> -> memref<10000x128xf32, #tpu.memory_space<hbm>>
    tpu.enqueue_indirect_dma source(%dma_start3A_13 : memref<10000x128xf32, #tpu.memory_space<hbm>>) target(%arg8 : memref<104x128xf32, #tpu.memory_space<vmem>>) offsets(%dma_start3A_10 : memref<104xi32, #tpu.memory_space<vmem>>) semaphore(%arg12 : memref<!tpu.dma_semaphore, #tpu.memory_space<semaphore_mem>>)
    %dma_start3A_14 = arith.constant 104 : i32
    %dma_start3A_15 = tpu.memref_slice %arg6[%dma_start3A_14] : memref<10000xi32, #tpu.memory_space<vmem>> -> memref<104xi32, #tpu.memory_space<vmem>>
    %dma_start3A_16 = arith.constant 0 : i32
    %dma_start3A_17 = arith.constant 0 : i32
    %dma_start3A_18 = tpu.memref_slice %arg2[%dma_start3A_16, %dma_start3A_17] : memref<10000x128xf32, #tpu.memory_space<hbm>> -> memref<10000x128xf32, #tpu.memory_space<hbm>>
    tpu.enqueue_indirect_dma source(%dma_start3A_18 : memref<10000x128xf32, #tpu.memory_space<hbm>>) target(%arg9 : memref<104x128xf32, #tpu.memory_space<vmem>>) offsets(%dma_start3A_15 : memref<104xi32, #tpu.memory_space<vmem>>) semaphore(%arg13 : memref<!tpu.dma_semaphore, #tpu.memory_space<semaphore_mem>>)
    %dma_start3A_19 = arith.constant 9984 : i32
    %dma_start3A_20 = tpu.memref_slice %arg6[%dma_start3A_19] : memref<10000xi32, #tpu.memory_space<vmem>> -> memref<16xi32, #tpu.memory_space<vmem>>
    %dma_start3A_21 = arith.constant 0 : i32
    %dma_start3A_22 = arith.constant 0 : i32
    %dma_start3A_23 = tpu.memref_slice %arg2[%dma_start3A_21, %dma_start3A_22] : memref<10000x128xf32, #tpu.memory_space<hbm>> -> memref<10000x128xf32, #tpu.memory_space<hbm>>
    tpu.enqueue_indirect_dma source(%dma_start3A_23 : memref<10000x128xf32, #tpu.memory_space<hbm>>) target(%arg10 : memref<16x128xf32, #tpu.memory_space<vmem>>) offsets(%dma_start3A_20 : memref<16xi32, #tpu.memory_space<vmem>>) semaphore(%arg14 : memref<!tpu.dma_semaphore, #tpu.memory_space<semaphore_mem>>)
    %mul3A_24 = arith.constant 640 : i32
    %mul3A_25 = arith.muli %arg1, %mul3A_24 : i32
    %dma_wait3A = arith.constant 0 : i32
    %dma_wait3A_26 = tpu.memref_slice %arg11[%mul3A_25, %dma_wait3A] : memref<10240x128xf32, #tpu.memory_space<vmem_shared>> -> memref<640x128xf32, #tpu.memory_space<vmem_shared>>
    tpu.wait_dma2 semaphore(%arg15 : memref<!tpu.dma_semaphore, #tpu.memory_space<semaphore_mem>>) src(%arg4 : memref<640x128xf32, #tpu.memory_space<hbm>>) dst(%dma_wait3A_26 : memref<640x128xf32, #tpu.memory_space<vmem_shared>>)
    %barrier3A = arith.constant 0 : index
    tpu.barrier barrier_id(%barrier3A)
    %scan3A = arith.constant 0 : i32
    %scan3A_27 = arith.constant 0 : i32
    %scan3A_28 = arith.constant 47 : i32
    %scan3A_29 = arith.addi %scan3A_27, %scan3A_28 : i32
    %scan3A_30 = arith.constant 1 : i32
    scf.for %scan3A_52 = %scan3A_27 to %scan3A_29 step %scan3A_30  : i32 {
      %mul3A_53 = arith.constant 2 : i32
      %mul3A_54 = arith.muli %mul3A_53, %scan3A_52 : i32
      %mul3A_55 = arith.constant 104 : i32
      %mul3A_56 = arith.muli %mul3A_54, %mul3A_55 : i32
      %dma_wait3A_57 = tpu.memref_slice %arg6[%mul3A_56] : memref<10000xi32, #tpu.memory_space<vmem>> -> memref<104xi32, #tpu.memory_space<vmem>>
      %dma_wait3A_58 = arith.constant 0 : i32
      %dma_wait3A_59 = arith.constant 0 : i32
      %dma_wait3A_60 = tpu.memref_slice %arg2[%dma_wait3A_58, %dma_wait3A_59] : memref<10000x128xf32, #tpu.memory_space<hbm>> -> memref<10000x128xf32, #tpu.memory_space<hbm>>
      tpu.wait_indirect_dma semaphore(%arg12 : memref<!tpu.dma_semaphore, #tpu.memory_space<semaphore_mem>>) src(%dma_wait3A_60 : memref<10000x128xf32, #tpu.memory_space<hbm>>) dst(%arg8 : memref<104x128xf32, #tpu.memory_space<vmem>>)
      %mul3A_61 = arith.constant 104 : i32
      %mul3A_62 = arith.muli %mul3A_54, %mul3A_61 : i32
      "tpu.region"() ({
        %run_scoped3A_91 = tpu.sem_alloc : memref<!tpu.dma_semaphore, #tpu.memory_space<semaphore_mem>>
        %dma_start3A_92 = tpu.memref_slice %arg7[%mul3A_62] : memref<10000xi32, #tpu.memory_space<vmem>> -> memref<104xi32, #tpu.memory_space<vmem>>
        %dma_start3A_93 = arith.constant 0 : i32
        %dma_start3A_94 = arith.constant 0 : i32
        %dma_start3A_95 = tpu.memref_slice %arg11[%dma_start3A_93, %dma_start3A_94] : memref<10240x128xf32, #tpu.memory_space<vmem_shared>> -> memref<10240x128xf32, #tpu.memory_space<vmem_shared>>
        tpu.enqueue_indirect_dma source(%arg8 : memref<104x128xf32, #tpu.memory_space<vmem>>) target(%dma_start3A_95 : memref<10240x128xf32, #tpu.memory_space<vmem_shared>>) offsets(%dma_start3A_92 : memref<104xi32, #tpu.memory_space<vmem>>) semaphore(%run_scoped3A_91 : memref<!tpu.dma_semaphore, #tpu.memory_space<semaphore_mem>>) {add = true}
        %dma_wait3A_96 = tpu.memref_slice %arg7[%mul3A_62] : memref<10000xi32, #tpu.memory_space<vmem>> -> memref<104xi32, #tpu.memory_space<vmem>>
        %dma_wait3A_97 = arith.constant 0 : i32
        %dma_wait3A_98 = arith.constant 0 : i32
        %dma_wait3A_99 = tpu.memref_slice %arg11[%dma_wait3A_97, %dma_wait3A_98] : memref<10240x128xf32, #tpu.memory_space<vmem_shared>> -> memref<10240x128xf32, #tpu.memory_space<vmem_shared>>
        tpu.wait_indirect_dma semaphore(%run_scoped3A_91 : memref<!tpu.dma_semaphore, #tpu.memory_space<semaphore_mem>>) src(%arg8 : memref<104x128xf32, #tpu.memory_space<vmem>>) dst(%dma_wait3A_99 : memref<10240x128xf32, #tpu.memory_space<vmem_shared>>)
        tpu.yield
      }) : () -> ()
      %add3A_63 = arith.constant 2 : i32
      %add3A_64 = arith.addi %mul3A_54, %add3A_63 : i32
      %mul3A_65 = arith.constant 104 : i32
      %mul3A_66 = arith.muli %add3A_64, %mul3A_65 : i32
      %dma_start3A_67 = tpu.memref_slice %arg6[%mul3A_66] : memref<10000xi32, #tpu.memory_space<vmem>> -> memref<104xi32, #tpu.memory_space<vmem>>
      %dma_start3A_68 = arith.constant 0 : i32
      %dma_start3A_69 = arith.constant 0 : i32
      %dma_start3A_70 = tpu.memref_slice %arg2[%dma_start3A_68, %dma_start3A_69] : memref<10000x128xf32, #tpu.memory_space<hbm>> -> memref<10000x128xf32, #tpu.memory_space<hbm>>
      tpu.enqueue_indirect_dma source(%dma_start3A_70 : memref<10000x128xf32, #tpu.memory_space<hbm>>) target(%arg8 : memref<104x128xf32, #tpu.memory_space<vmem>>) offsets(%dma_start3A_67 : memref<104xi32, #tpu.memory_space<vmem>>) semaphore(%arg12 : memref<!tpu.dma_semaphore, #tpu.memory_space<semaphore_mem>>)
      %add3A_71 = arith.constant 1 : i32
      %add3A_72 = arith.addi %mul3A_54, %add3A_71 : i32
      %mul3A_73 = arith.constant 104 : i32
      %mul3A_74 = arith.muli %add3A_72, %mul3A_73 : i32
      %dma_wait3A_75 = tpu.memref_slice %arg6[%mul3A_74] : memref<10000xi32, #tpu.memory_space<vmem>> -> memref<104xi32, #tpu.memory_space<vmem>>
      %dma_wait3A_76 = arith.constant 0 : i32
      %dma_wait3A_77 = arith.constant 0 : i32
      %dma_wait3A_78 = tpu.memref_slice %arg2[%dma_wait3A_76, %dma_wait3A_77] : memref<10000x128xf32, #tpu.memory_space<hbm>> -> memref<10000x128xf32, #tpu.memory_space<hbm>>
      tpu.wait_indirect_dma semaphore(%arg13 : memref<!tpu.dma_semaphore, #tpu.memory_space<semaphore_mem>>) src(%dma_wait3A_78 : memref<10000x128xf32, #tpu.memory_space<hbm>>) dst(%arg9 : memref<104x128xf32, #tpu.memory_space<vmem>>)
      %add3A_79 = arith.constant 1 : i32
      %add3A_80 = arith.addi %mul3A_54, %add3A_79 : i32
      %mul3A_81 = arith.constant 104 : i32
      %mul3A_82 = arith.muli %add3A_80, %mul3A_81 : i32
      "tpu.region"() ({
        %run_scoped3A_91 = tpu.sem_alloc : memref<!tpu.dma_semaphore, #tpu.memory_space<semaphore_mem>>
        %dma_start3A_92 = tpu.memref_slice %arg7[%mul3A_82] : memref<10000xi32, #tpu.memory_space<vmem>> -> memref<104xi32, #tpu.memory_space<vmem>>
        %dma_start3A_93 = arith.constant 0 : i32
        %dma_start3A_94 = arith.constant 0 : i32
        %dma_start3A_95 = tpu.memref_slice %arg11[%dma_start3A_93, %dma_start3A_94] : memref<10240x128xf32, #tpu.memory_space<vmem_shared>> -> memref<10240x128xf32, #tpu.memory_space<vmem_shared>>
        tpu.enqueue_indirect_dma source(%arg9 : memref<104x128xf32, #tpu.memory_space<vmem>>) target(%dma_start3A_95 : memref<10240x128xf32, #tpu.memory_space<vmem_shared>>) offsets(%dma_start3A_92 : memref<104xi32, #tpu.memory_space<vmem>>) semaphore(%run_scoped3A_91 : memref<!tpu.dma_semaphore, #tpu.memory_space<semaphore_mem>>) {add = true}
        %dma_wait3A_96 = tpu.memref_slice %arg7[%mul3A_82] : memref<10000xi32, #tpu.memory_space<vmem>> -> memref<104xi32, #tpu.memory_space<vmem>>
        %dma_wait3A_97 = arith.constant 0 : i32
        %dma_wait3A_98 = arith.constant 0 : i32
        %dma_wait3A_99 = tpu.memref_slice %arg11[%dma_wait3A_97, %dma_wait3A_98] : memref<10240x128xf32, #tpu.memory_space<vmem_shared>> -> memref<10240x128xf32, #tpu.memory_space<vmem_shared>>
        tpu.wait_indirect_dma semaphore(%run_scoped3A_91 : memref<!tpu.dma_semaphore, #tpu.memory_space<semaphore_mem>>) src(%arg9 : memref<104x128xf32, #tpu.memory_space<vmem>>) dst(%dma_wait3A_99 : memref<10240x128xf32, #tpu.memory_space<vmem_shared>>)
        tpu.yield
      }) : () -> ()
      %add3A_83 = arith.constant 3 : i32
      %add3A_84 = arith.addi %mul3A_54, %add3A_83 : i32
      %mul3A_85 = arith.constant 104 : i32
      %mul3A_86 = arith.muli %add3A_84, %mul3A_85 : i32
      %dma_start3A_87 = tpu.memref_slice %arg6[%mul3A_86] : memref<10000xi32, #tpu.memory_space<vmem>> -> memref<104xi32, #tpu.memory_space<vmem>>
      %dma_start3A_88 = arith.constant 0 : i32
      %dma_start3A_89 = arith.constant 0 : i32
      %dma_start3A_90 = tpu.memref_slice %arg2[%dma_start3A_88, %dma_start3A_89] : memref<10000x128xf32, #tpu.memory_space<hbm>> -> memref<10000x128xf32, #tpu.memory_space<hbm>>
      tpu.enqueue_indirect_dma source(%dma_start3A_90 : memref<10000x128xf32, #tpu.memory_space<hbm>>) target(%arg9 : memref<104x128xf32, #tpu.memory_space<vmem>>) offsets(%dma_start3A_87 : memref<104xi32, #tpu.memory_space<vmem>>) semaphore(%arg13 : memref<!tpu.dma_semaphore, #tpu.memory_space<semaphore_mem>>)
    }
    %scan3A_31 = arith.constant 47 : i32
    %dma_wait3A_32 = arith.constant 9776 : i32
    %dma_wait3A_33 = tpu.memref_slice %arg6[%dma_wait3A_32] : memref<10000xi32, #tpu.memory_space<vmem>> -> memref<104xi32, #tpu.memory_space<vmem>>
    %dma_wait3A_34 = arith.constant 0 : i32
    %dma_wait3A_35 = arith.constant 0 : i32
    %dma_wait3A_36 = tpu.memref_slice %arg2[%dma_wait3A_34, %dma_wait3A_35] : memref<10000x128xf32, #tpu.memory_space<hbm>> -> memref<10000x128xf32, #tpu.memory_space<hbm>>
    tpu.wait_indirect_dma semaphore(%arg12 : memref<!tpu.dma_semaphore, #tpu.memory_space<semaphore_mem>>) src(%dma_wait3A_36 : memref<10000x128xf32, #tpu.memory_space<hbm>>) dst(%arg8 : memref<104x128xf32, #tpu.memory_space<vmem>>)
    "tpu.region"() ({
      %run_scoped3A_52 = tpu.sem_alloc : memref<!tpu.dma_semaphore, #tpu.memory_space<semaphore_mem>>
      %dma_start3A_53 = arith.constant 9776 : i32
      %dma_start3A_54 = tpu.memref_slice %arg7[%dma_start3A_53] : memref<10000xi32, #tpu.memory_space<vmem>> -> memref<104xi32, #tpu.memory_space<vmem>>
      %dma_start3A_55 = arith.constant 0 : i32
      %dma_start3A_56 = arith.constant 0 : i32
      %dma_start3A_57 = tpu.memref_slice %arg11[%dma_start3A_55, %dma_start3A_56] : memref<10240x128xf32, #tpu.memory_space<vmem_shared>> -> memref<10240x128xf32, #tpu.memory_space<vmem_shared>>
      tpu.enqueue_indirect_dma source(%arg8 : memref<104x128xf32, #tpu.memory_space<vmem>>) target(%dma_start3A_57 : memref<10240x128xf32, #tpu.memory_space<vmem_shared>>) offsets(%dma_start3A_54 : memref<104xi32, #tpu.memory_space<vmem>>) semaphore(%run_scoped3A_52 : memref<!tpu.dma_semaphore, #tpu.memory_space<semaphore_mem>>) {add = true}
      %dma_wait3A_58 = arith.constant 9776 : i32
      %dma_wait3A_59 = tpu.memref_slice %arg7[%dma_wait3A_58] : memref<10000xi32, #tpu.memory_space<vmem>> -> memref<104xi32, #tpu.memory_space<vmem>>
      %dma_wait3A_60 = arith.constant 0 : i32
      %dma_wait3A_61 = arith.constant 0 : i32
      %dma_wait3A_62 = tpu.memref_slice %arg11[%dma_wait3A_60, %dma_wait3A_61] : memref<10240x128xf32, #tpu.memory_space<vmem_shared>> -> memref<10240x128xf32, #tpu.memory_space<vmem_shared>>
      tpu.wait_indirect_dma semaphore(%run_scoped3A_52 : memref<!tpu.dma_semaphore, #tpu.memory_space<semaphore_mem>>) src(%arg8 : memref<104x128xf32, #tpu.memory_space<vmem>>) dst(%dma_wait3A_62 : memref<10240x128xf32, #tpu.memory_space<vmem_shared>>)
      tpu.yield
    }) : () -> ()
    %dma_wait3A_37 = arith.constant 9880 : i32
    %dma_wait3A_38 = tpu.memref_slice %arg6[%dma_wait3A_37] : memref<10000xi32, #tpu.memory_space<vmem>> -> memref<104xi32, #tpu.memory_space<vmem>>
    %dma_wait3A_39 = arith.constant 0 : i32
    %dma_wait3A_40 = arith.constant 0 : i32
    %dma_wait3A_41 = tpu.memref_slice %arg2[%dma_wait3A_39, %dma_wait3A_40] : memref<10000x128xf32, #tpu.memory_space<hbm>> -> memref<10000x128xf32, #tpu.memory_space<hbm>>
    tpu.wait_indirect_dma semaphore(%arg13 : memref<!tpu.dma_semaphore, #tpu.memory_space<semaphore_mem>>) src(%dma_wait3A_41 : memref<10000x128xf32, #tpu.memory_space<hbm>>) dst(%arg9 : memref<104x128xf32, #tpu.memory_space<vmem>>)
    "tpu.region"() ({
      %run_scoped3A_52 = tpu.sem_alloc : memref<!tpu.dma_semaphore, #tpu.memory_space<semaphore_mem>>
      %dma_start3A_53 = arith.constant 9880 : i32
      %dma_start3A_54 = tpu.memref_slice %arg7[%dma_start3A_53] : memref<10000xi32, #tpu.memory_space<vmem>> -> memref<104xi32, #tpu.memory_space<vmem>>
      %dma_start3A_55 = arith.constant 0 : i32
      %dma_start3A_56 = arith.constant 0 : i32
      %dma_start3A_57 = tpu.memref_slice %arg11[%dma_start3A_55, %dma_start3A_56] : memref<10240x128xf32, #tpu.memory_space<vmem_shared>> -> memref<10240x128xf32, #tpu.memory_space<vmem_shared>>
      tpu.enqueue_indirect_dma source(%arg9 : memref<104x128xf32, #tpu.memory_space<vmem>>) target(%dma_start3A_57 : memref<10240x128xf32, #tpu.memory_space<vmem_shared>>) offsets(%dma_start3A_54 : memref<104xi32, #tpu.memory_space<vmem>>) semaphore(%run_scoped3A_52 : memref<!tpu.dma_semaphore, #tpu.memory_space<semaphore_mem>>) {add = true}
      %dma_wait3A_58 = arith.constant 9880 : i32
      %dma_wait3A_59 = tpu.memref_slice %arg7[%dma_wait3A_58] : memref<10000xi32, #tpu.memory_space<vmem>> -> memref<104xi32, #tpu.memory_space<vmem>>
      %dma_wait3A_60 = arith.constant 0 : i32
      %dma_wait3A_61 = arith.constant 0 : i32
      %dma_wait3A_62 = tpu.memref_slice %arg11[%dma_wait3A_60, %dma_wait3A_61] : memref<10240x128xf32, #tpu.memory_space<vmem_shared>> -> memref<10240x128xf32, #tpu.memory_space<vmem_shared>>
      tpu.wait_indirect_dma semaphore(%run_scoped3A_52 : memref<!tpu.dma_semaphore, #tpu.memory_space<semaphore_mem>>) src(%arg9 : memref<104x128xf32, #tpu.memory_space<vmem>>) dst(%dma_wait3A_62 : memref<10240x128xf32, #tpu.memory_space<vmem_shared>>)
      tpu.yield
    }) : () -> ()
    %dma_wait3A_42 = arith.constant 9984 : i32
    %dma_wait3A_43 = tpu.memref_slice %arg6[%dma_wait3A_42] : memref<10000xi32, #tpu.memory_space<vmem>> -> memref<16xi32, #tpu.memory_space<vmem>>
    %dma_wait3A_44 = arith.constant 0 : i32
    %dma_wait3A_45 = arith.constant 0 : i32
    %dma_wait3A_46 = tpu.memref_slice %arg2[%dma_wait3A_44, %dma_wait3A_45] : memref<10000x128xf32, #tpu.memory_space<hbm>> -> memref<10000x128xf32, #tpu.memory_space<hbm>>
    tpu.wait_indirect_dma semaphore(%arg14 : memref<!tpu.dma_semaphore, #tpu.memory_space<semaphore_mem>>) src(%dma_wait3A_46 : memref<10000x128xf32, #tpu.memory_space<hbm>>) dst(%arg10 : memref<16x128xf32, #tpu.memory_space<vmem>>)
    "tpu.region"() ({
      %run_scoped3A_52 = tpu.sem_alloc : memref<!tpu.dma_semaphore, #tpu.memory_space<semaphore_mem>>
      %dma_start3A_53 = arith.constant 9984 : i32
      %dma_start3A_54 = tpu.memref_slice %arg7[%dma_start3A_53] : memref<10000xi32, #tpu.memory_space<vmem>> -> memref<16xi32, #tpu.memory_space<vmem>>
      %dma_start3A_55 = arith.constant 0 : i32
      %dma_start3A_56 = arith.constant 0 : i32
      %dma_start3A_57 = tpu.memref_slice %arg11[%dma_start3A_55, %dma_start3A_56] : memref<10240x128xf32, #tpu.memory_space<vmem_shared>> -> memref<10240x128xf32, #tpu.memory_space<vmem_shared>>
      tpu.enqueue_indirect_dma source(%arg10 : memref<16x128xf32, #tpu.memory_space<vmem>>) target(%dma_start3A_57 : memref<10240x128xf32, #tpu.memory_space<vmem_shared>>) offsets(%dma_start3A_54 : memref<16xi32, #tpu.memory_space<vmem>>) semaphore(%run_scoped3A_52 : memref<!tpu.dma_semaphore, #tpu.memory_space<semaphore_mem>>) {add = true}
      %dma_wait3A_58 = arith.constant 9984 : i32
      %dma_wait3A_59 = tpu.memref_slice %arg7[%dma_wait3A_58] : memref<10000xi32, #tpu.memory_space<vmem>> -> memref<16xi32, #tpu.memory_space<vmem>>
      %dma_wait3A_60 = arith.constant 0 : i32
      %dma_wait3A_61 = arith.constant 0 : i32
      %dma_wait3A_62 = tpu.memref_slice %arg11[%dma_wait3A_60, %dma_wait3A_61] : memref<10240x128xf32, #tpu.memory_space<vmem_shared>> -> memref<10240x128xf32, #tpu.memory_space<vmem_shared>>
      tpu.wait_indirect_dma semaphore(%run_scoped3A_52 : memref<!tpu.dma_semaphore, #tpu.memory_space<semaphore_mem>>) src(%arg10 : memref<16x128xf32, #tpu.memory_space<vmem>>) dst(%dma_wait3A_62 : memref<10240x128xf32, #tpu.memory_space<vmem_shared>>)
      tpu.yield
    }) : () -> ()
    %barrier3A_47 = arith.constant 0 : index
    tpu.barrier barrier_id(%barrier3A_47)
    %mul3A_48 = arith.constant 640 : i32
    %mul3A_49 = arith.muli %arg1, %mul3A_48 : i32
    %mul3A_50 = arith.constant 640 : i32
    %mul3A_51 = arith.muli %arg1, %mul3A_50 : i32
    "tpu.region"() ({
      %run_scoped3A_52 = tpu.sem_alloc : memref<!tpu.dma_semaphore, #tpu.memory_space<semaphore_mem>>
      %dma_start3A_53 = arith.constant 0 : i32
      %dma_start3A_54 = tpu.memref_slice %arg5[%arg0, %mul3A_51, %dma_start3A_53] : memref<2x10240x128xf32, #tpu.memory_space<hbm>> -> memref<1x640x128xf32, #tpu.memory_space<hbm>>
      %dma_start3A_55 = tpu.memref_squeeze %dma_start3A_54 : memref<1x640x128xf32, #tpu.memory_space<hbm>> -> memref<640x128xf32, #tpu.memory_space<hbm>>
      %dma_start3A_56 = arith.constant 0 : i32
      %dma_start3A_57 = tpu.memref_slice %arg11[%mul3A_49, %dma_start3A_56] : memref<10240x128xf32, #tpu.memory_space<vmem_shared>> -> memref<640x128xf32, #tpu.memory_space<vmem_shared>>
      tpu.enqueue_dma source(%dma_start3A_57 : memref<640x128xf32, #tpu.memory_space<vmem_shared>>) target(%dma_start3A_55 : memref<640x128xf32, #tpu.memory_space<hbm>>) target_semaphore(%run_scoped3A_52 : memref<!tpu.dma_semaphore, #tpu.memory_space<semaphore_mem>>)
      %dma_wait3A_58 = arith.constant 0 : i32
      %dma_wait3A_59 = tpu.memref_slice %arg5[%arg0, %mul3A_51, %dma_wait3A_58] : memref<2x10240x128xf32, #tpu.memory_space<hbm>> -> memref<1x640x128xf32, #tpu.memory_space<hbm>>
      %dma_wait3A_60 = tpu.memref_squeeze %dma_wait3A_59 : memref<1x640x128xf32, #tpu.memory_space<hbm>> -> memref<640x128xf32, #tpu.memory_space<hbm>>
      %dma_wait3A_61 = arith.constant 0 : i32
      %dma_wait3A_62 = tpu.memref_slice %arg11[%mul3A_49, %dma_wait3A_61] : memref<10240x128xf32, #tpu.memory_space<vmem_shared>> -> memref<640x128xf32, #tpu.memory_space<vmem_shared>>
      tpu.wait_dma2 semaphore(%run_scoped3A_52 : memref<!tpu.dma_semaphore, #tpu.memory_space<semaphore_mem>>) src(%dma_wait3A_62 : memref<640x128xf32, #tpu.memory_space<vmem_shared>>) dst(%dma_wait3A_60 : memref<640x128xf32, #tpu.memory_space<hbm>>)
      tpu.yield
    }) : () -> ()
    return
  }
}

module attributes {stable_mosaic.version = 14 : i64} {
  func.func @_tck1_body(%arg0: i32, %arg1: memref<8x1024xf32, #tpu.memory_space<vmem>>, %arg2: memref<1024x128xf32, #tpu.memory_space<vmem>>, %arg3: memref<1024x128xf32, #tpu.memory_space<vmem>>) attributes {dimension_semantics = [#tpu.dimension_semantics<arbitrary>], iteration_bounds = array<i64: 10>, scalar_prefetch = 0 : i64, scratch_operands = 0 : i64, tpu.core_type = #tpu.core_type<tc>, window_params = [{transform_indices = @transform_0, window_bounds = array<i64: 8, 1024>}, {transform_indices = @transform_1, window_bounds = array<i64: 1024, 128>}, {transform_indices = @transform_2, window_bounds = array<i64: 1024, 128>}]} {
    %get3A = arith.constant 0 : index
    %get3A_0 = arith.constant 0 : index
    %get3A_1 = vector.load %arg2[%get3A, %get3A_0] : memref<1024x128xf32, #tpu.memory_space<vmem>>, vector<1024x128xf32>
    %get3A_2 = arith.constant 0 : index
    %get3A_3 = arith.constant 0 : index
    %get3A_4 = vector.load %arg1[%get3A_2, %get3A_3] : memref<8x1024xf32, #tpu.memory_space<vmem>>, vector<8x1024xf32>
    %transpose3A = tpu.transpose %get3A_4, [1, 0] : vector<8x1024xf32> -> vector<1024x8xf32>
    %slice3A = vector.extract_strided_slice %transpose3A {offsets = [0, 0], sizes = [1024, 1], strides = [1, 1]} : vector<1024x8xf32> to vector<1024x1xf32>
    %slice3A_5 = vector.extract_strided_slice %transpose3A {offsets = [0, 1], sizes = [1024, 1], strides = [1, 1]} : vector<1024x8xf32> to vector<1024x1xf32>
    %add3A = arith.addf %slice3A, %slice3A_5 : vector<1024x1xf32>
    %add3A_6 = arith.constant 1.000000e+00 : f32
    %add3A_7 = vector.broadcast %add3A_6 : f32 to vector<1024x1xf32>
    %add3A_8 = arith.addf %add3A, %add3A_7 : vector<1024x1xf32>
    %rsqrt3A = math.rsqrt %add3A_8 : vector<1024x1xf32>
    %mul3A = vector.broadcast %rsqrt3A : vector<1024x1xf32> to vector<1024x128xf32>
    %mul3A_9 = arith.mulf %get3A_1, %mul3A : vector<1024x128xf32>
    %swap3A = arith.constant 0 : index
    %swap3A_10 = arith.constant 0 : index
    %swap3A_11 = vector.load %arg3[%swap3A, %swap3A_10] : memref<1024x128xf32, #tpu.memory_space<vmem>>, vector<1024x128xf32>
    tpu.vector_store %arg3[%swap3A, %swap3A_10], %mul3A_9 {strides = array<i32>} : memref<1024x128xf32, #tpu.memory_space<vmem>>, vector<1024x128xf32>,
    return
  }
  func.func @transform_0(%arg0: i32) -> (i32, i32) {
    %c0_i32 = arith.constant 0 : i32
    %c0_i32_0 = arith.constant 0 : i32
    return %c0_i32, %arg0 : i32, i32
  }
  func.func @transform_1(%arg0: i32) -> (i32, i32) {
    %c0_i32 = arith.constant 0 : i32
    %c0_i32_0 = arith.constant 0 : i32
    return %arg0, %c0_i32 : i32, i32
  }
  func.func @transform_2(%arg0: i32) -> (i32, i32) {
    %c0_i32 = arith.constant 0 : i32
    %c0_i32_0 = arith.constant 0 : i32
    return %arg0, %c0_i32 : i32, i32
  }
}

module attributes {stable_mosaic.version = 14 : i64} {
  func.func @_tck0_body(%arg0: i32, %arg1: memref<1024x128xf32, #tpu.memory_space<vmem>>, %arg2: memref<128x128xf32, #tpu.memory_space<vmem>>, %arg3: memref<1024x128xf32, #tpu.memory_space<vmem>>) attributes {dimension_semantics = [#tpu.dimension_semantics<arbitrary>], iteration_bounds = array<i64: 10>, scalar_prefetch = 0 : i64, scratch_operands = 0 : i64, tpu.core_type = #tpu.core_type<tc>, window_params = [{transform_indices = @transform_0, window_bounds = array<i64: 1024, 128>}, {pipeline_mode = #tpu.pipeline_mode<synchronous>, transform_indices = @transform_1, window_bounds = array<i64: 128, 128>}, {transform_indices = @transform_2, window_bounds = array<i64: 1024, 128>}]} {
    %get3A = arith.constant 0 : index
    %get3A_0 = arith.constant 0 : index
    %get3A_1 = vector.load %arg1[%get3A, %get3A_0] : memref<1024x128xf32, #tpu.memory_space<vmem>>, vector<1024x128xf32>
    %get3A_2 = arith.constant 0 : index
    %get3A_3 = arith.constant 0 : index
    %get3A_4 = vector.load %arg2[%get3A_2, %get3A_3] : memref<128x128xf32, #tpu.memory_space<vmem>>, vector<128x128xf32>
    %dot_general3A = arith.constant dense<0.000000e+00> : vector<1024x128xf32>
    %dot_general3A_5 = tpu.matmul %get3A_1, %get3A_4, %dot_general3A {dimension_numbers = #tpu.dot_dimension_numbers<[1], [0], [0], [1], [0, 0, 1, 1], [], []>, transpose_lhs_hint = false} : vector<1024x128xf32>, vector<128x128xf32>, vector<1024x128xf32> -> vector<1024x128xf32>
    %swap3A = arith.constant 0 : index
    %swap3A_6 = arith.constant 0 : index
    %swap3A_7 = vector.load %arg3[%swap3A, %swap3A_6] : memref<1024x128xf32, #tpu.memory_space<vmem>>, vector<1024x128xf32>
    tpu.vector_store %arg3[%swap3A, %swap3A_6], %dot_general3A_5 {strides = array<i32>} : memref<1024x128xf32, #tpu.memory_space<vmem>>, vector<1024x128xf32>,
    return
  }
  func.func @transform_0(%arg0: i32) -> (i32, i32) {
    %c0_i32 = arith.constant 0 : i32
    %c0_i32_0 = arith.constant 0 : i32
    return %arg0, %c0_i32 : i32, i32
  }
  func.func @transform_1(%arg0: i32) -> (i32, i32) {
    %c0_i32 = arith.constant 0 : i32
    %c0_i32_0 = arith.constant 0 : i32
    %c0_i32_1 = arith.constant 0 : i32
    return %c0_i32, %c0_i32_0 : i32, i32
  }
  func.func @transform_2(%arg0: i32) -> (i32, i32) {
    %c0_i32 = arith.constant 0 : i32
    %c0_i32_0 = arith.constant 0 : i32
    return %arg0, %c0_i32 : i32, i32
  }
}

module attributes {stable_mosaic.version = 14 : i64} {
  func.func @body(%arg0: i32, %arg1: memref<2x1024x128xf32, #tpu.memory_space<vmem>>, %arg2: memref<1024x128xf32, #tpu.memory_space<vmem>>, %arg3: memref<1x128xf32, #tpu.memory_space<vmem>>, %arg4: memref<8x1024xf32, #tpu.memory_space<vmem>>, %arg5: memref<128x128xf32, #tpu.memory_space<vmem>>, %arg6: memref<1024x128xf32, #tpu.memory_space<vmem>>, %arg7: memref<1024x128xf32, #tpu.memory_space<vmem>>) attributes {dimension_semantics = [#tpu.dimension_semantics<arbitrary>], iteration_bounds = array<i64: 10>, scalar_prefetch = 0 : i64, scratch_operands = 0 : i64, tpu.core_type = #tpu.core_type<tc>, window_params = [{transform_indices = @transform_0, window_bounds = array<i64: 2, 1024, 128>}, {transform_indices = @transform_1, window_bounds = array<i64: 1024, 128>}, {pipeline_mode = #tpu.pipeline_mode<synchronous>, transform_indices = @transform_2, window_bounds = array<i64: 1, 128>}, {transform_indices = @transform_3, window_bounds = array<i64: 8, 1024>}, {pipeline_mode = #tpu.pipeline_mode<synchronous>, transform_indices = @transform_4, window_bounds = array<i64: 128, 128>}, {transform_indices = @transform_5, window_bounds = array<i64: 1024, 128>}, {transform_indices = @transform_6, window_bounds = array<i64: 1024, 128>}]} {
    %get3A = arith.constant 0 : index
    %get3A_0 = arith.constant 0 : index
    %get3A_1 = vector.load %arg4[%get3A, %get3A_0] : memref<8x1024xf32, #tpu.memory_space<vmem>>, vector<8x1024xf32>
    %transpose3A = tpu.transpose %get3A_1, [1, 0] : vector<8x1024xf32> -> vector<1024x8xf32>
    %slice3A = vector.extract_strided_slice %transpose3A {offsets = [0, 0], sizes = [1024, 1], strides = [1, 1]} : vector<1024x8xf32> to vector<1024x1xf32>
    %slice3A_2 = vector.extract_strided_slice %transpose3A {offsets = [0, 1], sizes = [1024, 1], strides = [1, 1]} : vector<1024x8xf32> to vector<1024x1xf32>
    %add3A = arith.addf %slice3A, %slice3A_2 : vector<1024x1xf32>
    %add3A_3 = arith.constant 1.000000e+00 : f32
    %add3A_4 = vector.broadcast %add3A_3 : f32 to vector<1024x1xf32>
    %add3A_5 = arith.addf %add3A, %add3A_4 : vector<1024x1xf32>
    %rsqrt3A = math.rsqrt %add3A_5 : vector<1024x1xf32>
    %get3A_6 = arith.constant 0 : index
    %get3A_7 = arith.constant 0 : index
    %get3A_8 = arith.constant 0 : index
    %get3A_9 = vector.load %arg1[%get3A_6, %get3A_7, %get3A_8] : memref<2x1024x128xf32, #tpu.memory_space<vmem>>, vector<1x1024x128xf32>
    %get3A_10 = vector.shape_cast %get3A_9 : vector<1x1024x128xf32> to vector<1024x128xf32>
    %get3A_11 = arith.constant 1 : index
    %get3A_12 = arith.constant 0 : index
    %get3A_13 = arith.constant 0 : index
    %get3A_14 = vector.load %arg1[%get3A_11, %get3A_12, %get3A_13] : memref<2x1024x128xf32, #tpu.memory_space<vmem>>, vector<1x1024x128xf32>
    %get3A_15 = vector.shape_cast %get3A_14 : vector<1x1024x128xf32> to vector<1024x128xf32>
    %add3A_16 = arith.addf %get3A_10, %get3A_15 : vector<1024x128xf32>
    %get3A_17 = arith.constant 0 : index
    %get3A_18 = arith.constant 0 : index
    %get3A_19 = vector.load %arg2[%get3A_17, %get3A_18] : memref<1024x128xf32, #tpu.memory_space<vmem>>, vector<1024x128xf32>
    %add3A_20 = arith.addf %add3A_16, %get3A_19 : vector<1024x128xf32>
    %mul3A = vector.broadcast %rsqrt3A : vector<1024x1xf32> to vector<1024x128xf32>
    %mul3A_21 = arith.mulf %mul3A, %add3A_20 : vector<1024x128xf32>
    %get3A_22 = arith.constant 0 : index
    %get3A_23 = arith.constant 0 : index
    %get3A_24 = vector.load %arg3[%get3A_22, %get3A_23] : memref<1x128xf32, #tpu.memory_space<vmem>>, vector<1x128xf32>
    %add3A_25 = vector.broadcast %get3A_24 : vector<1x128xf32> to vector<1024x128xf32>
    %add3A_26 = arith.addf %mul3A_21, %add3A_25 : vector<1024x128xf32>
    %max3A = arith.constant 0.000000e+00 : f32
    %max3A_27 = vector.broadcast %max3A : f32 to vector<1024x128xf32>
    %max3A_28 = arith.maximumf %add3A_26, %max3A_27 : vector<1024x128xf32>
    %swap3A = arith.constant 0 : index
    %swap3A_29 = arith.constant 0 : index
    %swap3A_30 = vector.load %arg6[%swap3A, %swap3A_29] : memref<1024x128xf32, #tpu.memory_space<vmem>>, vector<1024x128xf32>
    tpu.vector_store %arg6[%swap3A, %swap3A_29], %max3A_28 {strides = array<i32>} : memref<1024x128xf32, #tpu.memory_space<vmem>>, vector<1024x128xf32>,
    %get3A_31 = arith.constant 0 : index
    %get3A_32 = arith.constant 0 : index
    %get3A_33 = vector.load %arg5[%get3A_31, %get3A_32] : memref<128x128xf32, #tpu.memory_space<vmem>>, vector<128x128xf32>
    %dot_general3A = arith.constant dense<0.000000e+00> : vector<1024x128xf32>
    %dot_general3A_34 = tpu.matmul %max3A_28, %get3A_33, %dot_general3A {dimension_numbers = #tpu.dot_dimension_numbers<[1], [0], [0], [1], [0, 0, 1, 1], [], []>, transpose_lhs_hint = false} : vector<1024x128xf32>, vector<128x128xf32>, vector<1024x128xf32> -> vector<1024x128xf32>
    %mul3A_35 = vector.broadcast %rsqrt3A : vector<1024x1xf32> to vector<1024x128xf32>
    %mul3A_36 = arith.mulf %dot_general3A_34, %mul3A_35 : vector<1024x128xf32>
    %swap3A_37 = arith.constant 0 : index
    %swap3A_38 = arith.constant 0 : index
    %swap3A_39 = vector.load %arg7[%swap3A_37, %swap3A_38] : memref<1024x128xf32, #tpu.memory_space<vmem>>, vector<1024x128xf32>
    tpu.vector_store %arg7[%swap3A_37, %swap3A_38], %mul3A_36 {strides = array<i32>} : memref<1024x128xf32, #tpu.memory_space<vmem>>, vector<1024x128xf32>,
    return
  }
  func.func @transform_0(%arg0: i32) -> (i32, i32, i32) {
    %c0_i32 = arith.constant 0 : i32
    %c0_i32_0 = arith.constant 0 : i32
    %c0_i32_1 = arith.constant 0 : i32
    return %c0_i32, %arg0, %c0_i32_0 : i32, i32, i32
  }
  func.func @transform_1(%arg0: i32) -> (i32, i32) {
    %c0_i32 = arith.constant 0 : i32
    %c0_i32_0 = arith.constant 0 : i32
    return %arg0, %c0_i32 : i32, i32
  }
  func.func @transform_2(%arg0: i32) -> (i32, i32) {
    %c0_i32 = arith.constant 0 : i32
    %c0_i32_0 = arith.constant 0 : i32
    %c0_i32_1 = arith.constant 0 : i32
    return %c0_i32, %c0_i32_0 : i32, i32
  }
  func.func @transform_3(%arg0: i32) -> (i32, i32) {
    %c0_i32 = arith.constant 0 : i32
    %c0_i32_0 = arith.constant 0 : i32
    return %c0_i32, %arg0 : i32, i32
  }
  func.func @transform_4(%arg0: i32) -> (i32, i32) {
    %c0_i32 = arith.constant 0 : i32
    %c0_i32_0 = arith.constant 0 : i32
    %c0_i32_1 = arith.constant 0 : i32
    return %c0_i32, %c0_i32_0 : i32, i32
  }
  func.func @transform_5(%arg0: i32) -> (i32, i32) {
    %c0_i32 = arith.constant 0 : i32
    %c0_i32_0 = arith.constant 0 : i32
    return %arg0, %c0_i32 : i32, i32
  }
  func.func @transform_6(%arg0: i32) -> (i32, i32) {
    %c0_i32 = arith.constant 0 : i32
    %c0_i32_0 = arith.constant 0 : i32
    return %arg0, %c0_i32 : i32, i32
  }
}

module attributes {stable_mosaic.version = 14 : i64} {
  func.func @body(%arg0: i32, %arg1: memref<2x1024x128xf32, #tpu.memory_space<vmem>>, %arg2: memref<1024x128xf32, #tpu.memory_space<vmem>>, %arg3: memref<1x128xf32, #tpu.memory_space<vmem>>, %arg4: memref<8x1024xf32, #tpu.memory_space<vmem>>, %arg5: memref<128x16xf32, #tpu.memory_space<vmem>>, %arg6: memref<1024x128xf32, #tpu.memory_space<vmem>>, %arg7: memref<1024x16xf32, #tpu.memory_space<vmem>>) attributes {dimension_semantics = [#tpu.dimension_semantics<arbitrary>], iteration_bounds = array<i64: 10>, scalar_prefetch = 0 : i64, scratch_operands = 0 : i64, tpu.core_type = #tpu.core_type<tc>, window_params = [{transform_indices = @transform_0, window_bounds = array<i64: 2, 1024, 128>}, {transform_indices = @transform_1, window_bounds = array<i64: 1024, 128>}, {pipeline_mode = #tpu.pipeline_mode<synchronous>, transform_indices = @transform_2, window_bounds = array<i64: 1, 128>}, {transform_indices = @transform_3, window_bounds = array<i64: 8, 1024>}, {pipeline_mode = #tpu.pipeline_mode<synchronous>, transform_indices = @transform_4, window_bounds = array<i64: 128, 16>}, {transform_indices = @transform_5, window_bounds = array<i64: 1024, 128>}, {transform_indices = @transform_6, window_bounds = array<i64: 1024, 16>}]} {
    %get3A = arith.constant 0 : index
    %get3A_0 = arith.constant 0 : index
    %get3A_1 = vector.load %arg4[%get3A, %get3A_0] : memref<8x1024xf32, #tpu.memory_space<vmem>>, vector<8x1024xf32>
    %transpose3A = tpu.transpose %get3A_1, [1, 0] : vector<8x1024xf32> -> vector<1024x8xf32>
    %slice3A = vector.extract_strided_slice %transpose3A {offsets = [0, 0], sizes = [1024, 1], strides = [1, 1]} : vector<1024x8xf32> to vector<1024x1xf32>
    %slice3A_2 = vector.extract_strided_slice %transpose3A {offsets = [0, 1], sizes = [1024, 1], strides = [1, 1]} : vector<1024x8xf32> to vector<1024x1xf32>
    %add3A = arith.addf %slice3A, %slice3A_2 : vector<1024x1xf32>
    %add3A_3 = arith.constant 1.000000e+00 : f32
    %add3A_4 = vector.broadcast %add3A_3 : f32 to vector<1024x1xf32>
    %add3A_5 = arith.addf %add3A, %add3A_4 : vector<1024x1xf32>
    %rsqrt3A = math.rsqrt %add3A_5 : vector<1024x1xf32>
    %get3A_6 = arith.constant 0 : index
    %get3A_7 = arith.constant 0 : index
    %get3A_8 = arith.constant 0 : index
    %get3A_9 = vector.load %arg1[%get3A_6, %get3A_7, %get3A_8] : memref<2x1024x128xf32, #tpu.memory_space<vmem>>, vector<1x1024x128xf32>
    %get3A_10 = vector.shape_cast %get3A_9 : vector<1x1024x128xf32> to vector<1024x128xf32>
    %get3A_11 = arith.constant 1 : index
    %get3A_12 = arith.constant 0 : index
    %get3A_13 = arith.constant 0 : index
    %get3A_14 = vector.load %arg1[%get3A_11, %get3A_12, %get3A_13] : memref<2x1024x128xf32, #tpu.memory_space<vmem>>, vector<1x1024x128xf32>
    %get3A_15 = vector.shape_cast %get3A_14 : vector<1x1024x128xf32> to vector<1024x128xf32>
    %add3A_16 = arith.addf %get3A_10, %get3A_15 : vector<1024x128xf32>
    %get3A_17 = arith.constant 0 : index
    %get3A_18 = arith.constant 0 : index
    %get3A_19 = vector.load %arg2[%get3A_17, %get3A_18] : memref<1024x128xf32, #tpu.memory_space<vmem>>, vector<1024x128xf32>
    %add3A_20 = arith.addf %add3A_16, %get3A_19 : vector<1024x128xf32>
    %mul3A = vector.broadcast %rsqrt3A : vector<1024x1xf32> to vector<1024x128xf32>
    %mul3A_21 = arith.mulf %mul3A, %add3A_20 : vector<1024x128xf32>
    %get3A_22 = arith.constant 0 : index
    %get3A_23 = arith.constant 0 : index
    %get3A_24 = vector.load %arg3[%get3A_22, %get3A_23] : memref<1x128xf32, #tpu.memory_space<vmem>>, vector<1x128xf32>
    %add3A_25 = vector.broadcast %get3A_24 : vector<1x128xf32> to vector<1024x128xf32>
    %add3A_26 = arith.addf %mul3A_21, %add3A_25 : vector<1024x128xf32>
    %swap3A = arith.constant 0 : index
    %swap3A_27 = arith.constant 0 : index
    %swap3A_28 = vector.load %arg6[%swap3A, %swap3A_27] : memref<1024x128xf32, #tpu.memory_space<vmem>>, vector<1024x128xf32>
    tpu.vector_store %arg6[%swap3A, %swap3A_27], %add3A_26 {strides = array<i32>} : memref<1024x128xf32, #tpu.memory_space<vmem>>, vector<1024x128xf32>,
    %get3A_29 = arith.constant 0 : index
    %get3A_30 = arith.constant 0 : index
    %get3A_31 = vector.load %arg5[%get3A_29, %get3A_30] : memref<128x16xf32, #tpu.memory_space<vmem>>, vector<128x16xf32>
    %dot_general3A = arith.constant dense<0.000000e+00> : vector<1024x16xf32>
    %dot_general3A_32 = tpu.matmul %add3A_26, %get3A_31, %dot_general3A {dimension_numbers = #tpu.dot_dimension_numbers<[1], [0], [0], [1], [0, 0, 1, 1], [], []>, transpose_lhs_hint = false} : vector<1024x128xf32>, vector<128x16xf32>, vector<1024x16xf32> -> vector<1024x16xf32>
    %mul3A_33 = vector.broadcast %rsqrt3A : vector<1024x1xf32> to vector<1024x16xf32>
    %mul3A_34 = arith.mulf %dot_general3A_32, %mul3A_33 : vector<1024x16xf32>
    %swap3A_35 = arith.constant 0 : index
    %swap3A_36 = arith.constant 0 : index
    %swap3A_37 = vector.load %arg7[%swap3A_35, %swap3A_36] : memref<1024x16xf32, #tpu.memory_space<vmem>>, vector<1024x16xf32>
    tpu.vector_store %arg7[%swap3A_35, %swap3A_36], %mul3A_34 {strides = array<i32>} : memref<1024x16xf32, #tpu.memory_space<vmem>>, vector<1024x16xf32>,
    return
  }
  func.func @transform_0(%arg0: i32) -> (i32, i32, i32) {
    %c0_i32 = arith.constant 0 : i32
    %c0_i32_0 = arith.constant 0 : i32
    %c0_i32_1 = arith.constant 0 : i32
    return %c0_i32, %arg0, %c0_i32_0 : i32, i32, i32
  }
  func.func @transform_1(%arg0: i32) -> (i32, i32) {
    %c0_i32 = arith.constant 0 : i32
    %c0_i32_0 = arith.constant 0 : i32
    return %arg0, %c0_i32 : i32, i32
  }
  func.func @transform_2(%arg0: i32) -> (i32, i32) {
    %c0_i32 = arith.constant 0 : i32
    %c0_i32_0 = arith.constant 0 : i32
    %c0_i32_1 = arith.constant 0 : i32
    return %c0_i32, %c0_i32_0 : i32, i32
  }
  func.func @transform_3(%arg0: i32) -> (i32, i32) {
    %c0_i32 = arith.constant 0 : i32
    %c0_i32_0 = arith.constant 0 : i32
    return %c0_i32, %arg0 : i32, i32
  }
  func.func @transform_4(%arg0: i32) -> (i32, i32) {
    %c0_i32 = arith.constant 0 : i32
    %c0_i32_0 = arith.constant 0 : i32
    %c0_i32_1 = arith.constant 0 : i32
    return %c0_i32, %c0_i32_0 : i32, i32
  }
  func.func @transform_5(%arg0: i32) -> (i32, i32) {
    %c0_i32 = arith.constant 0 : i32
    %c0_i32_0 = arith.constant 0 : i32
    return %arg0, %c0_i32 : i32, i32
  }
  func.func @transform_6(%arg0: i32) -> (i32, i32) {
    %c0_i32 = arith.constant 0 : i32
    %c0_i32_0 = arith.constant 0 : i32
    return %arg0, %c0_i32 : i32, i32
  }
}

module attributes {stable_mosaic.version = 14 : i64} {
  func.func @_tck4_body(%arg0: i32, %arg1: memref<2x1024x16xf32, #tpu.memory_space<vmem>>, %arg2: memref<1024x16xf32, #tpu.memory_space<vmem>>, %arg3: memref<1x16xf32, #tpu.memory_space<vmem>>, %arg4: memref<8x1024xf32, #tpu.memory_space<vmem>>, %arg5: memref<1024x16xf32, #tpu.memory_space<vmem>>) attributes {dimension_semantics = [#tpu.dimension_semantics<arbitrary>], iteration_bounds = array<i64: 10>, scalar_prefetch = 0 : i64, scratch_operands = 0 : i64, tpu.core_type = #tpu.core_type<tc>, window_params = [{transform_indices = @transform_0, window_bounds = array<i64: 2, 1024, 16>}, {transform_indices = @transform_1, window_bounds = array<i64: 1024, 16>}, {pipeline_mode = #tpu.pipeline_mode<synchronous>, transform_indices = @transform_2, window_bounds = array<i64: 1, 16>}, {transform_indices = @transform_3, window_bounds = array<i64: 8, 1024>}, {transform_indices = @transform_4, window_bounds = array<i64: 1024, 16>}]} {
    %get3A = arith.constant 0 : index
    %get3A_0 = arith.constant 0 : index
    %get3A_1 = arith.constant 0 : index
    %get3A_2 = vector.load %arg1[%get3A, %get3A_0, %get3A_1] : memref<2x1024x16xf32, #tpu.memory_space<vmem>>, vector<1x1024x16xf32>
    %get3A_3 = vector.shape_cast %get3A_2 : vector<1x1024x16xf32> to vector<1024x16xf32>
    %get3A_4 = arith.constant 1 : index
    %get3A_5 = arith.constant 0 : index
    %get3A_6 = arith.constant 0 : index
    %get3A_7 = vector.load %arg1[%get3A_4, %get3A_5, %get3A_6] : memref<2x1024x16xf32, #tpu.memory_space<vmem>>, vector<1x1024x16xf32>
    %get3A_8 = vector.shape_cast %get3A_7 : vector<1x1024x16xf32> to vector<1024x16xf32>
    %add3A = arith.addf %get3A_3, %get3A_8 : vector<1024x16xf32>
    %get3A_9 = arith.constant 0 : index
    %get3A_10 = arith.constant 0 : index
    %get3A_11 = vector.load %arg2[%get3A_9, %get3A_10] : memref<1024x16xf32, #tpu.memory_space<vmem>>, vector<1024x16xf32>
    %add3A_12 = arith.addf %add3A, %get3A_11 : vector<1024x16xf32>
    %get3A_13 = arith.constant 0 : index
    %get3A_14 = arith.constant 0 : index
    %get3A_15 = vector.load %arg4[%get3A_13, %get3A_14] : memref<8x1024xf32, #tpu.memory_space<vmem>>, vector<8x1024xf32>
    %transpose3A = tpu.transpose %get3A_15, [1, 0] : vector<8x1024xf32> -> vector<1024x8xf32>
    %slice3A = vector.extract_strided_slice %transpose3A {offsets = [0, 0], sizes = [1024, 1], strides = [1, 1]} : vector<1024x8xf32> to vector<1024x1xf32>
    %slice3A_16 = vector.extract_strided_slice %transpose3A {offsets = [0, 1], sizes = [1024, 1], strides = [1, 1]} : vector<1024x8xf32> to vector<1024x1xf32>
    %add3A_17 = arith.addf %slice3A, %slice3A_16 : vector<1024x1xf32>
    %add3A_18 = arith.constant 1.000000e+00 : f32
    %add3A_19 = vector.broadcast %add3A_18 : f32 to vector<1024x1xf32>
    %add3A_20 = arith.addf %add3A_17, %add3A_19 : vector<1024x1xf32>
    %rsqrt3A = math.rsqrt %add3A_20 : vector<1024x1xf32>
    %mul3A = vector.broadcast %rsqrt3A : vector<1024x1xf32> to vector<1024x16xf32>
    %mul3A_21 = arith.mulf %mul3A, %add3A_12 : vector<1024x16xf32>
    %get3A_22 = arith.constant 0 : index
    %get3A_23 = arith.constant 0 : index
    %get3A_24 = vector.load %arg3[%get3A_22, %get3A_23] : memref<1x16xf32, #tpu.memory_space<vmem>>, vector<1x16xf32>
    %add3A_25 = vector.broadcast %get3A_24 : vector<1x16xf32> to vector<1024x16xf32>
    %add3A_26 = arith.addf %mul3A_21, %add3A_25 : vector<1024x16xf32>
    %swap3A = arith.constant 0 : index
    %swap3A_27 = arith.constant 0 : index
    %swap3A_28 = vector.load %arg5[%swap3A, %swap3A_27] : memref<1024x16xf32, #tpu.memory_space<vmem>>, vector<1024x16xf32>
    tpu.vector_store %arg5[%swap3A, %swap3A_27], %add3A_26 {strides = array<i32>} : memref<1024x16xf32, #tpu.memory_space<vmem>>, vector<1024x16xf32>,
    return
  }
  func.func @transform_0(%arg0: i32) -> (i32, i32, i32) {
    %c0_i32 = arith.constant 0 : i32
    %c0_i32_0 = arith.constant 0 : i32
    %c0_i32_1 = arith.constant 0 : i32
    return %c0_i32, %arg0, %c0_i32_0 : i32, i32, i32
  }
  func.func @transform_1(%arg0: i32) -> (i32, i32) {
    %c0_i32 = arith.constant 0 : i32
    %c0_i32_0 = arith.constant 0 : i32
    return %arg0, %c0_i32 : i32, i32
  }
  func.func @transform_2(%arg0: i32) -> (i32, i32) {
    %c0_i32 = arith.constant 0 : i32
    %c0_i32_0 = arith.constant 0 : i32
    %c0_i32_1 = arith.constant 0 : i32
    return %c0_i32, %c0_i32_0 : i32, i32
  }
  func.func @transform_3(%arg0: i32) -> (i32, i32) {
    %c0_i32 = arith.constant 0 : i32
    %c0_i32_0 = arith.constant 0 : i32
    return %c0_i32, %arg0 : i32, i32
  }
  func.func @transform_4(%arg0: i32) -> (i32, i32) {
    %c0_i32 = arith.constant 0 : i32
    %c0_i32_0 = arith.constant 0 : i32
    return %arg0, %c0_i32 : i32, i32
  }
}

</mosaic_0001>

<sc_bundles>
// kernel: kernel.11.cloned.1.call-start
scs
__scs_entry_jumppad:
0x0: {  	(pc) =	sbr.rel $0x88, $3  }
0x1: {  	(tag) =	ssettag $0x0;
	lr =	simm.s32 $0x1  }
0x2: {  	[smem:$0x3F99] =	sst lr;
	_ =	strace $0xD0000000  }
0x3: {  	_ = 	snop  }
0x4: {  	_ = 	snop  }
0x5: {  	_ = 	snop  }
0x6: {  	_ = 	snop  }
0x7: {  	_ = 	snop  }
__scs_overlays_trampoline_lowered:
0x8: {  	[smem:$0x3FA8] =	sst s0  }
0x9: {  	[smem:$0x3FA9] =	sst s1  }
0xa: {  	[smem:$0x3FAA] =	sst s2  }
0xb: {  	[smem:$0x3FAB] =	sst s3  }
0xc: {  	[smem:$0x3FAC] =	sst s4  }
0xd: {  	[smem:$0x3FAD] =	sst s5  }
0xe: {  	[smem:$0x3FAE] =	sst s6  }
0xf: {  	[smem:$0x3FAF] =	sst s7  }
0x10: {  	[smem:$0x3FB0] =	sst s8  }
0x11: {  	[smem:$0x3FB1] =	sst s9;
	s0 =	simm.s32 @!p0 $0x0  }
0x12: {  	s1 =	sld [smem:$0x3F97];
	s0 =	simm.s32 @p0 $0x1  }
0x13: {  	[smem:$0x3FB2] =	sst s0;
	s0 =	simm.s32 @!p1 $0x0  }
0x14: {  	s2 =	sld [smem:$0x3F96];
	s0 =	simm.s32 @p1 $0x1  }
0x15: {  	[smem:$0x3FB3] =	sst s0;
	s0 =	simm.s32 @!p2 $0x0  }
0x16: {  	s3 =	sld [smem:$0x3FDB];
	s0 =	simm.s32 @p2 $0x1  }
0x17: {  	s4 =	simm.s32 $0x1BF5;
	[smem:$0x3FB5] =	sst s0  }
0x18: {  	s0 =	sld [smem:$0x3F98];
	_ =	swait.ge [sflag:s4], $0x0  }
0x19: {  	s7 =	sld [smem:$0x3F99]  }
0x1a: {  	s8 =	sadd.s32 $0xFFFFE003, lr  }
0x1b: {  	s9 =	sadd.s32 $0xFFFFFEF7, lr;
	s5 =	simm.s32 $0xFFFFFFFF;
	p2 =	slt.u32 s8, $0xFFFFF086  }
0x1c: {  	p1 =	slt.u32 s9, $0xF7A;
	s5 =	simm.s32 @!p2 $0x0  }
0x1d: {  	s5 =	simm.s32 @p1 $0x1;
	p0 =	seq.s32 s7, s2  }
0x1e: {  	s7 =	smul.u32 @!p0 $0xF7A, s2;
	p2 =	seq.s32 @!p0 s5, $0x0  }
0x1f: {  	s9 =	smul.u32 $0xF7A, s1;
	s8 =	simm.s32 @!p0 $0x1BF5;
	p2 =	por !p2, p0  }
0x20: {  	[sflag:s8] =	ssyncset.s32 @!p0 $0xFFFFF086;
	s6 =	sadd.s32 @!p0 s3, s7;
	s7 =	simm.s32 @!p0 $0x108  }
0x21: {  	s3 =	sadd.s32 s3, s9;
	s6 =	sadd.s32 @!p0 $0x88, s6;
	s7 =	simm.s32 @p2 $0x1082  }
0x22: {  	[simem:s7], [sflag:s8] =	dma.local @!p0 [hbm:s6], $0xF7A  }
0x23: {  	s9 =	sor.u32 $0xD0000000, s2;
	s6 =	simm.s32 $0x108;
	_ =	swait.ge @!p0 [sflag:s8], $0x0  }
0x24: {  	s3 =	sadd.s32 $0x88, s3;
	s6 =	simm.s32 @!p1 $0x1082;
	[sflag:s4] =	ssyncset.s32 $0xFFFFF086  }
0x25: {  	[simem:s6], [sflag:s4] =	dma.local [hbm:s3], $0xF7A  }
0x26: {  	[smem:$0x3F99] =	sst s1;
	(tag) =	ssettag s2;
	_ =	strace s9  }
0x27: {  	s1 =	sld [smem:$0x3FA9]  }
0x28: {  	s2 =	sld [smem:$0x3FAA]  }
0x29: {  	s4 =	sld [smem:$0x3FAC]  }
0x2a: {  	p0 =	seq.s32 s5, $0x0;
	s5 =	sld [smem:$0x3FAD]  }
0x2b: {  	s6 =	sld [smem:$0x3FAE]  }
0x2c: {  	s7 =	sld [smem:$0x3FAF]  }
0x2d: {  	s3 =	simm.s32 $0x108;
	s8 =	sld [smem:$0x3FB0]  }
0x2e: {  	s3 =	simm.s32 @!p0 $0x1082;
	s9 =	sld [smem:$0x3FB1]  }
0x2f: {  	lr =	sadd.s32 s0, s3;
	s0 =	sld [smem:$0x3FA8]  }
0x30: {  	s3 =	sld [smem:$0x3FAB]  }
0x31: {  	[smem:$0x3FB4] =	sst s10  }
0x32: {  	s10 =	sld [smem:$0x3FB2];
	_ =	sdelay $0x3  }
0x33: {  	p0 =	seq.s32 s10, $0x1;
	s10 =	sld [smem:$0x3FB4];
	_ =	sdelay $0x3  }
0x34: {  	[smem:$0x3FB4] =	sst s10  }
0x35: {  	s10 =	sld [smem:$0x3FB3];
	_ =	sdelay $0x3  }
0x36: {  	p1 =	seq.s32 s10, $0x1;
	s10 =	sld [smem:$0x3FB4];
	_ =	sdelay $0x3  }
0x37: {  	[smem:$0x3FB4] =	sst s10  }
0x38: {  	s10 =	sld [smem:$0x3FB5]  }
0x39: {  	_ = 	snop;
	(pc) =	sbr.ind lr, $3  }
0x3a: {  	_ = 	snop  }
0x3b: {  	_ = 	snop  }
0x3c: {  	p2 =	seq.s32 s10, $0x1;
	s10 =	sld [smem:$0x3FB4]  }
0x3d: {  	_ =	shalt  }
0x3e: {  	_ =	shalt  }
0x3f: {  	_ =	shalt  }
0x40: {  	_ =	shalt  }
0x41: {  	_ =	shalt  }
0x42: {  	_ =	shalt  }
0x43: {  	_ =	shalt  }
0x44: {  	_ =	shalt  }
0x45: {  	_ =	shalt  }
0x46: {  	_ =	shalt  }
0x47: {  	_ =	shalt  }
0x48: {  	_ =	shalt  }
0x49: {  	_ =	shalt  }
0x4a: {  	_ =	shalt  }
0x4b: {  	_ =	shalt  }
0x4c: {  	_ =	shalt  }
0x4d: {  	_ =	shalt  }
0x4e: {  	_ =	shalt  }
0x4f: {  	_ =	shalt  }
0x50: {  	_ =	shalt  }
0x51: {  	_ =	shalt  }
0x52: {  	_ =	shalt  }
0x53: {  	_ =	shalt  }
0x54: {  	_ =	shalt  }
0x55: {  	_ =	shalt  }
0x56: {  	_ =	shalt  }
0x57: {  	_ =	shalt  }
0x58: {  	_ =	shalt  }
0x59: {  	_ =	shalt  }
0x5a: {  	_ =	shalt  }
0x5b: {  	_ =	shalt  }
0x5c: {  	_ =	shalt  }
0x5d: {  	_ =	shalt  }
0x5e: {  	_ =	shalt  }
0x5f: {  	_ =	shalt  }
0x60: {  	_ =	shalt  }
0x61: {  	_ =	shalt  }
0x62: {  	_ =	shalt  }
0x63: {  	_ =	shalt  }
0x64: {  	_ =	shalt  }
0x65: {  	_ =	shalt  }
0x66: {  	_ =	shalt  }
0x67: {  	_ =	shalt  }
0x68: {  	_ =	shalt  }
0x69: {  	_ =	shalt  }
0x6a: {  	_ =	shalt  }
0x6b: {  	_ =	shalt  }
0x6c: {  	_ =	shalt  }
0x6d: {  	_ =	shalt  }
0x6e: {  	_ =	shalt  }
0x6f: {  	_ =	shalt  }
0x70: {  	_ =	shalt  }
0x71: {  	_ =	shalt  }
0x72: {  	_ =	shalt  }
0x73: {  	_ =	shalt  }
0x74: {  	_ =	shalt  }
0x75: {  	_ =	shalt  }
0x76: {  	_ =	shalt  }
0x77: {  	_ =	shalt  }
0x78: {  	_ =	shalt  }
0x79: {  	_ =	shalt  }
0x7a: {  	_ =	shalt  }
0x7b: {  	_ =	shalt  }
0x7c: {  	_ =	shalt  }
0x7d: {  	_ =	shalt  }
0x7e: {  	_ =	shalt  }
0x7f: {  	_ =	shalt  }
0x80: {  	_ =	shalt  }
0x81: {  	_ =	shalt  }
0x82: {  	_ =	shalt  }
0x83: {  	_ =	shalt  }
0x84: {  	_ =	shalt  }
0x85: {  	_ =	shalt  }
0x86: {  	_ =	shalt  }
0x87: {  	_ =	shalt  }
.Lfunc_end0:
.L_simem_size_0:
called_computation_lowered:
.L_overlay_start_0:
0x88: {  	s2 =	sld [smem:$0x3FD9]  }
0x89: {  	s3 =	sld [smem:$0x3FFE];
	_ =	sdelay $0x1  }
0x8a: {  	s1 =	srdreg.scid  }
0x8b: {  	s0 =	sand.u32 $0x1, s1  }
0x8c: {  	s14 =	sshll.u32 s0, $0xA;
	s2 =	sadd.s32 s3, s2  }
0x8d: {  	s2 =	sadd.s32 s2, s14  }
0x8e: {  	[smem:$0x3FC0] =	sst s2  }
0x8f: {  	_ = 	snop  }
0x90: {  	s2 =	sld [smem:$0x3FD0];
	_ =	sdelay $0x2  }
0x91: {  	s15 =	simm.s32 $0xA;
	s4 =	simm.s32 $0x10  }
0x92: {  	[smem:s4], [sflag:s15] =	dma.local [hbm:s2], $0x1  }
0x93: {  	_ =	swait.eq [sflag:s15], $0x1  }
0x94: {  	[sflag:s15] =	ssyncset.done $0x0  }
0x95: {  	s16 =	sld [smem:$0x10];
	[sflag:s15] =	ssyncadd.s32 $0xFFFFFFFF  }
0x96: {  	s17 =	sld [smem:$0x12];
	(tm) =	ssettm $0x1  }
0x97: {  	s18 =	sld [smem:$0x3FFB];
	_ =	sdelay $0x3  }
0x98: {  	_ =	strace s18  }
0x99: {  	s4 =	sld [smem:$0x3FFC];
	_ =	sdelay $0x3  }
0x9a: {  	_ =	strace s4  }
0x9b: {  	s4 =	sld [smem:$0x3FFD];
	_ =	sdelay $0x3  }
0x9c: {  	_ =	strace s4  }
0x9d: {  	_ =	strace $0x8FFFFFFF  }
0x9e: {  	s19 =	sld [smem:$0x3FDB];
	_ =	sdelay $0x1  }
0x9f: {  	s5 =	simm.s32 $_scs_section_size  }
0xa0: {  	s6 =	simm.s32 $_size__tile_overlayer_lowered;
	s7 =	simm.s32 $_tile_overlayer_lowered  }
0xa1: {  	s22 =	simm.s32 $0x1BFF;
	s21 =	sshll.u32 s7, $0x1;
	s4 =	sadd.s32 s5, s19  }
0xa2: {  	s8 =	simm.s32 $0x0;
	s20 =	sshll.u32 s6, $0x1;
	s6 =	sadd.s32 s21, s4  }
0xa3: {  	[timem:s8], [sflag:s22] =	dma.local [hbm:s6], s20  }
0xa4: {  	_ =	swait.ge [sflag:s22], s20  }
0xa5: {  	s5 =	ssub.s32 $0x0, s20;
	[sflag:s22] =	ssyncset.done $0x0  }
0xa6: {  	[sflag:s22] =	ssyncadd.s32 s5;
	_ =	sdelay $0x1  }
0xa7: {  	s23 =	simm.s32 $0x1B8B  }
0xa8: {  	_ =	swait.ge [sflag:s23], $0x1  }
0xa9: {  	[sflag:s23] =	ssyncset.done $0x0  }
0xaa: {  	s25 =	simm.s32 $0x1B8E;
	s24 =	sld [smem:$0x3FFE];
	[sflag:s23] =	ssyncadd.s32 $0xFFFFFFFF  }
0xab: {  	s26 =	simm.s32 $execute0_lowered;
	[smem:$0x3FD2] =	sst s25  }
0xac: {  	s6 =	sshll.u32 s26, $0x1;
	_ =	strace $0x80000046;
	[dreg:$0x1] =	wrdreg $0xFFFFFFFF  }
0xad: {  	s28 =	simm.s32 $_size_execute0_lowered;
	s4 =	sadd.s32 s4, s6;
	[dreg:$0x0] =	wrdreg $0x0  }
0xae: {  	s6 =	sshll.u32 s28, $0x1;
	[dreg:$0x2] =	wrdreg s4  }
0xaf: {  	[dreg:$0x3] =	wrdreg s6  }
0xb0: {  	[dreg:$0x4] =	wrdreg $0xC0  }
0xb1: {  	_ =	task [dreg:s8], $0x5FFFF  }
0xb2: {  	[dreg:$0x1] =	wrdreg $0xFFFFFFFF  }
0xb3: {  	[dreg:$0x0] =	wrdreg $0x60  }
0xb4: {  	[dreg:$0x2] =	wrdreg s24  }
0xb5: {  	[dreg:$0x3] =	wrdreg s17  }
0xb6: {  	[dreg:$0x4] =	wrdreg s16  }
0xb7: {  	[dreg:$0x5] =	wrdreg $0x27900  }
0xb8: {  	[dreg:$0x6] =	wrdreg $0x9  }
0xb9: {  	_ =	task.clear_ibuf [dreg:s8], $0x7FFFF;
	_ =	strace $0x90000046  }
0xba: {  	s29 =	simm.s32 $0x9;
	_ =	strace $0x80000048  }
0xbb: {  	_ =	swait.ge [sflag:s29], $0x1  }
0xbc: {  	[sflag:s29] =	ssyncadd.s32 $0xFFFFFFFF  }
0xbd: {  	_ =	strace $0x90000048  }
0xbe: {  	_ =	sfence  }
0xbf: {  	s30 =	sld [smem:$0x0];
	_ =	sdelay $0x2  }
0xc0: {  	s31 =	sshll.u32 s1, $0xD;
	s1 =	sshrl.u32 s1, $0x2  }
0xc1: {  	s3 =	sand.u32 $0x4000, s31;
	s1 =	sadd.s32 s1, s30  }
0xc2: {  	s0 =	sor.u32 s3, s0;
	s1 =	sshll.u32 s1, $0x11  }
0xc3: {  	s0 =	sor.u32 s1, s0  }
0xc4: {  	s0 =	sadd.s32 $0x8F2B, s0  }
0xc5: {  	[sflag:s0] =	ssyncadd.remote.s32 $0x1  }
0xc6: {  	_ =	sfence.sel $0xFFFF  }
0xc7: {  	[dreg:$0x0] =	wrdreg $0xFFFFFFFF;
	(pc) =	sbr.abs _section_cstart, $3  }
0xc8: {  	[dreg:$0x1] =	wrdreg $0xFFFFFFFF  }
0xc9: {  	_ =	task.clear_ibuf [dreg:s8], $0x2FFFF;
	_ =	strace $0x9FFFFFFF  }
0xca: {  	(tm) =	ssettm $0x7FFFFFFF  }
0xcb: {  	_ =	shalt  }
tec
execute0_lowered:
.L_overlay_start_1:
0x0: {  	(tag) =	ssettag $0x1  }
0x1: {  	s5 =	rddreg [dreg:$0x0]  }
0x2: {  	s2 =	rddreg [dreg:$0x1]  }
0x3: {  	s7 =	rddreg [dreg:$0x2]  }
0x4: {  	s3 =	rddreg [dreg:$0x3]  }
0x5: {  	s4 =	srdreg.scid;
	s1 =	stileid.u32  }
0x6: {  	s0 =	rddreg [dreg:$0x4];
	s13 =	simm.s32 $0x10;
	s14 =	simm.s32 $0x2700  }
0x7: {  	s15 =	simm.s32 $0x0;
	s6 =	sand.u32 $0x1, s4;
	s8 =	sshll.u32 s1, $0x1  }
0x8: {  	s4 =	simm.s32 $0x0;
	s9 =	smul.u32 $0x280, s1;
	s12 =	sshll.u32 s1, $0x6  }
0x9: {  	s8 =	sor.u32 s6, s8;
	s10 =	ssub.s32 $0x2, s6;
	s6 =	smul.u32 $0x2800, s6  }
0xa: {  	[smem:$0x7FF] =	sst s4;
	s8 =	smul.u32 $0x2710, s8;
	s11 =	sshrl.u32 s10, $0x1  }
0xb: {  	_ =	strace $0x80000047;
	s30 =	sadd.s32 s9, s3;
	s10 =	ssub.s32 s10, s11  }
0xc: {  	s9 =	sadd.s32 s9, s6;
	s11 =	simm.s32 $0x80;
	s8 =	sshrl.u32 s8, $0x3  }
0xd: {  	s31 =	sshrl.u32 s9, $0x3;
	s9 =	sshrl.u32 s30, $0x3;
	s8 =	sadd.s32 s5, s8  }
0xe: {  	s5 =	sor.u32 $0x1C01, s12;
	s7 =	sadd.s32 s7, s31;
	s12 =	simm.s32 $0x2710  }
0xf: {  	v0 =	vimm.f32 $1.000000000e+00;
	s6 =	sadd.s32 $0xD040, s8;
	s8 =	smax.u32 s10, $0x1;
	s10 =	simm.s32 $0x1  }
.LBB2_1:
0x10: {  	[spmem:s9], [sflag:s5] =	dma.local [hbm:s2], $0x50  }
0x11: {  	_ =	swait.ge [sflag:s10], $0x50  }
0x12: {  	[sflag:s10] =	ssyncset.done $0x0  }
0x13: {  	[sflag:s10] =	ssyncadd.s32 $0xFFFFFFB0  }
0x14: {  	[tilespmem:s4], [sflag:$0x1] =	stream.linear.gather [hbm4b:s6+s4], $0x2710, $0x38;
	[tilespmem:$0x2A10] =	vst v63  }
0x15: {  	_ =	swait.ge [sflag:s10], $0x2710  }
0x16: {  	[sflag:s10] =	ssyncset.done $0x0  }
0x17: {  	[sflag:s10] =	ssyncadd.s32 $0xFFFFD8F0  }
0x18: {  	[tilespmem:$0x2710] =	vst v0  }
0x19: {  	[tilespmem:$0x2720] =	vst v0  }
0x1a: {  	[tilespmem:$0x2730] =	vst v0  }
0x1b: {  	[tilespmem:$0x2740] =	vst v0  }
0x1c: {  	[tilespmem:$0x2750] =	vst v0  }
0x1d: {  	[tilespmem:$0x2760] =	vst v0  }
0x1e: {  	[tilespmem:$0x2770] =	vst v0  }
0x1f: {  	[tilespmem:$0x2780] =	vst v0  }
0x20: {  	s16 =	simm.s32 $0x0;
	[bflag:$0x0] =	sbarrier.arrive $0xFFFF  }
0x21: {  	[spmem:s3] =	stream.indirect.scatter.add.f32 [tilespmem:s12], [sflag:$0x1], $0x1, s16, s11, $0xb8;
	[tilespmem:$0x2A10] =	vst v63  }
0x22: {  	_ =	swait.ge [sflag:s10], $0x80  }
0x23: {  	s16 =	simm.s32 $0x200;
	[sflag:s10] =	ssyncset.done $0x0  }
.LBB2_2:
0x24: {  	s17 =	sshra.s32 s16, $0x2;
	[sflag:s10] =	ssyncadd.s32 $0xFFFFFF80;
	p0 =	sne.s32 s16, $0x9A00  }
0x25: {  	[spmem:s3] =	stream.indirect.scatter.add.f32 [tilespmem:s12], [sflag:$0x1], $0x1, s17, s11, $0xb8;
	[tilespmem:$0x2A10] =	vst v63  }
.Ltmp0:
0x26: {  	_ = 	snop;
	(pc) =	sbr.rel @p0 .LBB2_2-.Ltmp0, $4  }
0x27: {  	_ = 	snop  }
0x28: {  	s16 =	sadd.s32 $0x200, s16  }
0x29: {  	_ =	swait.ge [sflag:s10], $0x80  }
0x2a: {  	[sflag:s10] =	ssyncset.done $0x0  }
0x2b: {  	[sflag:s10] =	ssyncadd.s32 $0xFFFFFF80  }
0x2c: {  	[spmem:s3] =	stream.indirect.scatter.add.f32 [tilespmem:s12], [sflag:$0x1], $0x1, s14, s13, $0xb8;
	[tilespmem:$0x2A10] =	vst v63  }
0x2d: {  	_ =	swait.ge [sflag:s10], $0x10  }
0x2e: {  	s15 =	sadd.s32 $0x1, s15;
	[sflag:s10] =	ssyncset.done $0x0  }
0x2f: {  	p0 =	sne.s32 s15, s8;
	[sflag:s10] =	ssyncadd.s32 $0xFFFFFFF0  }
.Ltmp1:
0x30: {  	[bflag:$0x0] =	sbarrier.arrive $0xFFFF;
	(pc) =	sbr.rel @p0 .LBB2_1-.Ltmp1, $4  }
0x31: {  	[hbm:s7], [sflag:s5] =	dma.local [spmem:s9], $0x50  }
0x32: {  	_ =	swait.ge [sflag:s10], $0x50  }
0x33: {  	[sflag:s10] =	ssyncset.done $0x0  }
0x34: {  	[sflag:s10] =	ssyncadd.s32 $0xFFFFFFB0  }
0x35: {  	_ =	sfence.sel $0x180000  }
0x36: {  	[bflag:$0x0] =	sbarrier.arrive $0xFFFF  }
0x37: {  	p0 =	sne.s32 s1, $0x0;
	_ =	strace $0x90000047  }
0x38: {  	s0 =	sadd.s32 @!p0 $0x100000, s0;
	[bflag:$0x2] =	sbarrier.arrive $0xFFFF  }
0x39: {  	[sflag:s0] =	ssyncadd.tile.s32 @!p0 $0x1;
	_ =	shalt  }
.Lfunc_end2:
_tile_overlayer_lowered:
.L_overlay_start_2:
0x3a: {  	(tag) =	ssettag $0x2  }
0x3b: {  	s0 =	rddreg [dreg:$0x0];
	s2 =	stileid.u32  }
0x3c: {  	s1 =	rddreg [dreg:$0x1];
	p0 =	sne.s32 s2, $0x0  }
0x3d: {  	s3 =	rddreg [dreg:$0x2];
	[bflag:$0x3] =	sbarrier.arrive $0xFFFF;
	s2 =	simm.s32 @!p0 $0x1C01  }
0x3e: {  	[timem:s3], [sflag:s2] =	dma.local @!p0 [hbm:s0], s1  }
0x3f: {  	s0 =	simm.s32 @!p0 $0x1  }
0x40: {  	_ =	swait.ge @!p0 [sflag:s0], s1  }
0x41: {  	s1 =	ssub.s32 @!p0 $0x0, s1;
	[sflag:s0] =	ssyncset.done @!p0 $0x0  }
0x42: {  	[sflag:s0] =	ssyncadd.s32 @!p0 s1  }
0x43: {  	[bflag:$0x3] =	sbarrier.arrive $0xFFFF  }
0x44: {  	_ =	shalt  }

// kernel: kernel.14.cloned.1.call-start
scs
__scs_entry_jumppad:
0x0: {  	(pc) =	sbr.rel $0x88, $3  }
0x1: {  	(tag) =	ssettag $0x0;
	lr =	simm.s32 $0x1  }
0x2: {  	[smem:$0x3F99] =	sst lr;
	_ =	strace $0xD0000000  }
0x3: {  	_ = 	snop  }
0x4: {  	_ = 	snop  }
0x5: {  	_ = 	snop  }
0x6: {  	_ = 	snop  }
0x7: {  	_ = 	snop  }
__scs_overlays_trampoline_lowered:
0x8: {  	[smem:$0x3FA8] =	sst s0  }
0x9: {  	[smem:$0x3FA9] =	sst s1  }
0xa: {  	[smem:$0x3FAA] =	sst s2  }
0xb: {  	[smem:$0x3FAB] =	sst s3  }
0xc: {  	[smem:$0x3FAC] =	sst s4  }
0xd: {  	[smem:$0x3FAD] =	sst s5  }
0xe: {  	[smem:$0x3FAE] =	sst s6  }
0xf: {  	[smem:$0x3FAF] =	sst s7  }
0x10: {  	[smem:$0x3FB0] =	sst s8  }
0x11: {  	[smem:$0x3FB1] =	sst s9;
	s0 =	simm.s32 @!p0 $0x0  }
0x12: {  	s1 =	sld [smem:$0x3F97];
	s0 =	simm.s32 @p0 $0x1  }
0x13: {  	[smem:$0x3FB2] =	sst s0;
	s0 =	simm.s32 @!p1 $0x0  }
0x14: {  	s2 =	sld [smem:$0x3F96];
	s0 =	simm.s32 @p1 $0x1  }
0x15: {  	[smem:$0x3FB3] =	sst s0;
	s0 =	simm.s32 @!p2 $0x0  }
0x16: {  	s3 =	sld [smem:$0x3FDB];
	s0 =	simm.s32 @p2 $0x1  }
0x17: {  	s4 =	simm.s32 $0x1BF5;
	[smem:$0x3FB5] =	sst s0  }
0x18: {  	s0 =	sld [smem:$0x3F98];
	_ =	swait.ge [sflag:s4], $0x0  }
0x19: {  	s7 =	sld [smem:$0x3F99]  }
0x1a: {  	s8 =	sadd.s32 $0xFFFFE003, lr  }
0x1b: {  	s9 =	sadd.s32 $0xFFFFFEF7, lr;
	s5 =	simm.s32 $0xFFFFFFFF;
	p2 =	slt.u32 s8, $0xFFFFF086  }
0x1c: {  	p1 =	slt.u32 s9, $0xF7A;
	s5 =	simm.s32 @!p2 $0x0  }
0x1d: {  	s5 =	simm.s32 @p1 $0x1;
	p0 =	seq.s32 s7, s2  }
0x1e: {  	s7 =	smul.u32 @!p0 $0xF7A, s2;
	p2 =	seq.s32 @!p0 s5, $0x0  }
0x1f: {  	s9 =	smul.u32 $0xF7A, s1;
	s8 =	simm.s32 @!p0 $0x1BF5;
	p2 =	por !p2, p0  }
0x20: {  	[sflag:s8] =	ssyncset.s32 @!p0 $0xFFFFF086;
	s6 =	sadd.s32 @!p0 s3, s7;
	s7 =	simm.s32 @!p0 $0x108  }
0x21: {  	s3 =	sadd.s32 s3, s9;
	s6 =	sadd.s32 @!p0 $0x88, s6;
	s7 =	simm.s32 @p2 $0x1082  }
0x22: {  	[simem:s7], [sflag:s8] =	dma.local @!p0 [hbm:s6], $0xF7A  }
0x23: {  	s9 =	sor.u32 $0xD0000000, s2;
	s6 =	simm.s32 $0x108;
	_ =	swait.ge @!p0 [sflag:s8], $0x0  }
0x24: {  	s3 =	sadd.s32 $0x88, s3;
	s6 =	simm.s32 @!p1 $0x1082;
	[sflag:s4] =	ssyncset.s32 $0xFFFFF086  }
0x25: {  	[simem:s6], [sflag:s4] =	dma.local [hbm:s3], $0xF7A  }
0x26: {  	[smem:$0x3F99] =	sst s1;
	(tag) =	ssettag s2;
	_ =	strace s9  }
0x27: {  	s1 =	sld [smem:$0x3FA9]  }
0x28: {  	s2 =	sld [smem:$0x3FAA]  }
0x29: {  	s4 =	sld [smem:$0x3FAC]  }
0x2a: {  	p0 =	seq.s32 s5, $0x0;
	s5 =	sld [smem:$0x3FAD]  }
0x2b: {  	s6 =	sld [smem:$0x3FAE]  }
0x2c: {  	s7 =	sld [smem:$0x3FAF]  }
0x2d: {  	s3 =	simm.s32 $0x108;
	s8 =	sld [smem:$0x3FB0]  }
0x2e: {  	s3 =	simm.s32 @!p0 $0x1082;
	s9 =	sld [smem:$0x3FB1]  }
0x2f: {  	lr =	sadd.s32 s0, s3;
	s0 =	sld [smem:$0x3FA8]  }
0x30: {  	s3 =	sld [smem:$0x3FAB]  }
0x31: {  	[smem:$0x3FB4] =	sst s10  }
0x32: {  	s10 =	sld [smem:$0x3FB2];
	_ =	sdelay $0x3  }
0x33: {  	p0 =	seq.s32 s10, $0x1;
	s10 =	sld [smem:$0x3FB4];
	_ =	sdelay $0x3  }
0x34: {  	[smem:$0x3FB4] =	sst s10  }
0x35: {  	s10 =	sld [smem:$0x3FB3];
	_ =	sdelay $0x3  }
0x36: {  	p1 =	seq.s32 s10, $0x1;
	s10 =	sld [smem:$0x3FB4];
	_ =	sdelay $0x3  }
0x37: {  	[smem:$0x3FB4] =	sst s10  }
0x38: {  	s10 =	sld [smem:$0x3FB5]  }
0x39: {  	_ = 	snop;
	(pc) =	sbr.ind lr, $3  }
0x3a: {  	_ = 	snop  }
0x3b: {  	_ = 	snop  }
0x3c: {  	p2 =	seq.s32 s10, $0x1;
	s10 =	sld [smem:$0x3FB4]  }
0x3d: {  	_ =	shalt  }
0x3e: {  	_ =	shalt  }
0x3f: {  	_ =	shalt  }
0x40: {  	_ =	shalt  }
0x41: {  	_ =	shalt  }
0x42: {  	_ =	shalt  }
0x43: {  	_ =	shalt  }
0x44: {  	_ =	shalt  }
0x45: {  	_ =	shalt  }
0x46: {  	_ =	shalt  }
0x47: {  	_ =	shalt  }
0x48: {  	_ =	shalt  }
0x49: {  	_ =	shalt  }
0x4a: {  	_ =	shalt  }
0x4b: {  	_ =	shalt  }
0x4c: {  	_ =	shalt  }
0x4d: {  	_ =	shalt  }
0x4e: {  	_ =	shalt  }
0x4f: {  	_ =	shalt  }
0x50: {  	_ =	shalt  }
0x51: {  	_ =	shalt  }
0x52: {  	_ =	shalt  }
0x53: {  	_ =	shalt  }
0x54: {  	_ =	shalt  }
0x55: {  	_ =	shalt  }
0x56: {  	_ =	shalt  }
0x57: {  	_ =	shalt  }
0x58: {  	_ =	shalt  }
0x59: {  	_ =	shalt  }
0x5a: {  	_ =	shalt  }
0x5b: {  	_ =	shalt  }
0x5c: {  	_ =	shalt  }
0x5d: {  	_ =	shalt  }
0x5e: {  	_ =	shalt  }
0x5f: {  	_ =	shalt  }
0x60: {  	_ =	shalt  }
0x61: {  	_ =	shalt  }
0x62: {  	_ =	shalt  }
0x63: {  	_ =	shalt  }
0x64: {  	_ =	shalt  }
0x65: {  	_ =	shalt  }
0x66: {  	_ =	shalt  }
0x67: {  	_ =	shalt  }
0x68: {  	_ =	shalt  }
0x69: {  	_ =	shalt  }
0x6a: {  	_ =	shalt  }
0x6b: {  	_ =	shalt  }
0x6c: {  	_ =	shalt  }
0x6d: {  	_ =	shalt  }
0x6e: {  	_ =	shalt  }
0x6f: {  	_ =	shalt  }
0x70: {  	_ =	shalt  }
0x71: {  	_ =	shalt  }
0x72: {  	_ =	shalt  }
0x73: {  	_ =	shalt  }
0x74: {  	_ =	shalt  }
0x75: {  	_ =	shalt  }
0x76: {  	_ =	shalt  }
0x77: {  	_ =	shalt  }
0x78: {  	_ =	shalt  }
0x79: {  	_ =	shalt  }
0x7a: {  	_ =	shalt  }
0x7b: {  	_ =	shalt  }
0x7c: {  	_ =	shalt  }
0x7d: {  	_ =	shalt  }
0x7e: {  	_ =	shalt  }
0x7f: {  	_ =	shalt  }
0x80: {  	_ =	shalt  }
0x81: {  	_ =	shalt  }
0x82: {  	_ =	shalt  }
0x83: {  	_ =	shalt  }
0x84: {  	_ =	shalt  }
0x85: {  	_ =	shalt  }
0x86: {  	_ =	shalt  }
0x87: {  	_ =	shalt  }
.Lfunc_end0:
.L_simem_size_0:
called_computation.1_lowered:
.L_overlay_start_0:
0x88: {  	s2 =	sld [smem:$0x3FD9]  }
0x89: {  	s3 =	sld [smem:$0x3FFE];
	_ =	sdelay $0x1  }
0x8a: {  	s1 =	srdreg.scid  }
0x8b: {  	s0 =	sand.u32 $0x1, s1  }
0x8c: {  	s14 =	sshll.u32 s0, $0xA;
	s2 =	sadd.s32 s3, s2  }
0x8d: {  	s2 =	sadd.s32 s2, s14  }
0x8e: {  	[smem:$0x3FC0] =	sst s2  }
0x8f: {  	_ = 	snop  }
0x90: {  	s2 =	sld [smem:$0x3FD0];
	_ =	sdelay $0x2  }
0x91: {  	s15 =	simm.s32 $0xA;
	s4 =	simm.s32 $0x10  }
0x92: {  	[smem:s4], [sflag:s15] =	dma.local [hbm:s2], $0x1  }
0x93: {  	_ =	swait.eq [sflag:s15], $0x1  }
0x94: {  	[sflag:s15] =	ssyncset.done $0x0  }
0x95: {  	s16 =	sld [smem:$0x10];
	[sflag:s15] =	ssyncadd.s32 $0xFFFFFFFF  }
0x96: {  	s17 =	sld [smem:$0x12];
	(tm) =	ssettm $0x1  }
0x97: {  	s18 =	sld [smem:$0x3FFB];
	_ =	sdelay $0x3  }
0x98: {  	_ =	strace s18  }
0x99: {  	s4 =	sld [smem:$0x3FFC];
	_ =	sdelay $0x3  }
0x9a: {  	_ =	strace s4  }
0x9b: {  	s4 =	sld [smem:$0x3FFD];
	_ =	sdelay $0x3  }
0x9c: {  	_ =	strace s4  }
0x9d: {  	_ =	strace $0x8FFFFFFF  }
0x9e: {  	s19 =	sld [smem:$0x3FDB];
	_ =	sdelay $0x1  }
0x9f: {  	s5 =	simm.s32 $_scs_section_size  }
0xa0: {  	s6 =	simm.s32 $_size__tile_overlayer_lowered;
	s7 =	simm.s32 $_tile_overlayer_lowered  }
0xa1: {  	s22 =	simm.s32 $0x1BFF;
	s21 =	sshll.u32 s7, $0x1;
	s4 =	sadd.s32 s5, s19  }
0xa2: {  	s8 =	simm.s32 $0x0;
	s20 =	sshll.u32 s6, $0x1;
	s6 =	sadd.s32 s21, s4  }
0xa3: {  	[timem:s8], [sflag:s22] =	dma.local [hbm:s6], s20  }
0xa4: {  	_ =	swait.ge [sflag:s22], s20  }
0xa5: {  	s5 =	ssub.s32 $0x0, s20;
	[sflag:s22] =	ssyncset.done $0x0  }
0xa6: {  	[sflag:s22] =	ssyncadd.s32 s5;
	_ =	sdelay $0x1  }
0xa7: {  	s23 =	simm.s32 $0x1B8B  }
0xa8: {  	_ =	swait.ge [sflag:s23], $0x1  }
0xa9: {  	[sflag:s23] =	ssyncset.done $0x0  }
0xaa: {  	s25 =	simm.s32 $0x1B8E;
	s24 =	sld [smem:$0x3FFE];
	[sflag:s23] =	ssyncadd.s32 $0xFFFFFFFF  }
0xab: {  	s26 =	simm.s32 $execute0_lowered;
	[smem:$0x3FD2] =	sst s25  }
0xac: {  	s6 =	sshll.u32 s26, $0x1;
	_ =	strace $0x80000049;
	[dreg:$0x1] =	wrdreg $0xFFFFFFFF  }
0xad: {  	s28 =	simm.s32 $_size_execute0_lowered;
	s4 =	sadd.s32 s4, s6;
	[dreg:$0x0] =	wrdreg $0x0  }
0xae: {  	s6 =	sshll.u32 s28, $0x1;
	[dreg:$0x2] =	wrdreg s4  }
0xaf: {  	[dreg:$0x3] =	wrdreg s6  }
0xb0: {  	[dreg:$0x4] =	wrdreg $0xC0  }
0xb1: {  	_ =	task [dreg:s8], $0x5FFFF  }
0xb2: {  	[dreg:$0x1] =	wrdreg $0xFFFFFFFF  }
0xb3: {  	[dreg:$0x0] =	wrdreg $0x60  }
0xb4: {  	[dreg:$0x2] =	wrdreg s17  }
0xb5: {  	[dreg:$0x3] =	wrdreg s24  }
0xb6: {  	[dreg:$0x4] =	wrdreg s16  }
0xb7: {  	[dreg:$0x5] =	wrdreg $0xBE200  }
0xb8: {  	[dreg:$0x6] =	wrdreg $0x9  }
0xb9: {  	_ =	task.clear_ibuf [dreg:s8], $0x7FFFF;
	_ =	strace $0x90000049  }
0xba: {  	s29 =	simm.s32 $0x9;
	_ =	strace $0x8000004B  }
0xbb: {  	_ =	swait.ge [sflag:s29], $0x1  }
0xbc: {  	[sflag:s29] =	ssyncadd.s32 $0xFFFFFFFF  }
0xbd: {  	_ =	strace $0x9000004B  }
0xbe: {  	_ =	sfence  }
0xbf: {  	s30 =	sld [smem:$0x0];
	_ =	sdelay $0x2  }
0xc0: {  	s31 =	sshll.u32 s1, $0xD;
	s1 =	sshrl.u32 s1, $0x2  }
0xc1: {  	s3 =	sand.u32 $0x4000, s31;
	s1 =	sadd.s32 s1, s30  }
0xc2: {  	s0 =	sor.u32 s3, s0;
	s1 =	sshll.u32 s1, $0x11  }
0xc3: {  	s0 =	sor.u32 s1, s0  }
0xc4: {  	s0 =	sadd.s32 $0x8F2B, s0  }
0xc5: {  	[sflag:s0] =	ssyncadd.remote.s32 $0x1  }
0xc6: {  	_ =	sfence.sel $0xFFFF  }
0xc7: {  	[dreg:$0x0] =	wrdreg $0xFFFFFFFF;
	(pc) =	sbr.abs _section_cstart, $3  }
0xc8: {  	[dreg:$0x1] =	wrdreg $0xFFFFFFFF  }
0xc9: {  	_ =	task.clear_ibuf [dreg:s8], $0x2FFFF;
	_ =	strace $0x9FFFFFFF  }
0xca: {  	(tm) =	ssettm $0x7FFFFFFF  }
0xcb: {  	_ =	shalt  }
tec
execute0_lowered:
.L_overlay_start_1:
0x0: {  	(tag) =	ssettag $0x1  }
0x1: {  	s1 =	rddreg [dreg:$0x0]  }
0x2: {  	s2 =	srdreg.scid;
	s7 =	rddreg [dreg:$0x1]  }
0x3: {  	s0 =	stileid.u32;
	s3 =	rddreg [dreg:$0x2]  }
0x4: {  	s4 =	rddreg [dreg:$0x3];
	s5 =	simm.s32 $0x0;
	s15 =	simm.s32 $0x68  }
0x5: {  	s16 =	simm.s32 $0x4E20;
	s17 =	simm.s32 $0x8220;
	s18 =	simm.s32 $0x10  }
0x6: {  	s19 =	simm.s32 $0x2700;
	s20 =	simm.s32 $0xB620;
	s21 =	simm.s32 $0x4  }
0x7: {  	s22 =	simm.s32 $0x1;
	s23 =	simm.s32 $0x2;
	s24 =	simm.s32 $0x4D40  }
0x8: {  	s28 =	simm.s32 $0x4E10;
	s29 =	simm.s32 $0x0;
	s6 =	sand.u32 $0x1, s2  }
0x9: {  	s25 =	sshll.u32 s0, $0x1;
	s9 =	smul.u32 $0x14000, s0;
	[smem:$0x7FF] =	sst s5  }
0xa: {  	s2 =	sor.u32 s6, s25;
	s10 =	smul.u32 $0x140000, s6;
	_ =	strace $0x8000004A  }
0xb: {  	s30 =	ssub.s32 $0x2, s6;
	s6 =	sshll.u32 s0, $0x6;
	s8 =	smul.u32 $0x2710, s2  }
0xc: {  	s25 =	simm.s32 $0x4DA8;
	s31 =	sshrl.u32 s30, $0x1;
	s10 =	sadd.s32 s9, s10  }
0xd: {  	s14 =	sadd.s32 s9, s4;
	s8 =	sshrl.u32 s8, $0x3;
	s26 =	sshrl.u32 s10, $0x3  }
0xe: {  	s13 =	ssub.s32 s30, s31;
	s11 =	sadd.s32 s8, s7;
	s12 =	sadd.s32 s26, s7  }
0xf: {  	s7 =	sor.u32 $0x1C04, s6;
	s26 =	simm.s32 $0x3;
	s8 =	sadd.s32 $0x3400, s11  }
0x10: {  	s9 =	sadd.s32 $0xD040, s11;
	s10 =	sadd.s32 $0x16E00, s12;
	s11 =	smax.u32 s13, $0x1  }
0x11: {  	s12 =	sshrl.u32 s14, $0x3;
	s13 =	simm.s32 $0x5;
	s14 =	simm.s32 $0x2710  }
.LBB2_1:
0x12: {  	[spmem:s12], [sflag:s7] =	dma.local [hbm:s3], $0x2800  }
0x13: {  	[tilespmem:s5], [sflag:$0x5] =	stream.linear.gather [hbm4b:s8+s5], $0x2710, $0x38;
	[tilespmem:$0x1FE20] =	vst v63  }
0x14: {  	_ =	swait.ge [sflag:s13], $0x2710  }
0x15: {  	[sflag:s13] =	ssyncset.done $0x0  }
0x16: {  	[sflag:s13] =	ssyncadd.s32 $0xFFFFD8F0  }
0x17: {  	[tilespmem:s14], [sflag:$0x5] =	stream.linear.gather [hbm4b:s9+s5], $0x2710, $0x38;
	[tilespmem:$0x1FE20] =	vst v63  }
0x18: {  	_ =	swait.ge [sflag:s13], $0x2710  }
0x19: {  	[sflag:s13] =	ssyncset.done $0x0  }
0x1a: {  	[sflag:s13] =	ssyncadd.s32 $0xFFFFD8F0  }
0x1b: {  	[tilespmem:s16], [sflag:$0x1] =	stream.indirect.gather [hbm4b:s1+s15], $0x80, s5, s15, $0xb8;
	[tilespmem:$0x1FE20] =	vst v63  }
0x1c: {  	_ = 	snop  }
0x1d: {  	[tilespmem:s17], [sflag:$0x2] =	stream.indirect.gather [hbm4b:s1+s15], $0x80, s15, s15, $0xb8;
	[tilespmem:$0x1FE20] =	vst v63  }
0x1e: {  	_ = 	snop  }
0x1f: {  	[tilespmem:s20], [sflag:$0x3] =	stream.indirect.gather [hbm4b:s1+s18], $0x80, s19, s18, $0xb8;
	[tilespmem:$0x1FE20] =	vst v63  }
0x20: {  	_ =	swait.ge [sflag:s21], $0x2800  }
0x21: {  	[sflag:s21] =	ssyncset.done $0x0  }
0x22: {  	[sflag:s21] =	ssyncadd.s32 $0xFFFFD800  }
0x23: {  	[bflag:$0x0] =	sbarrier.arrive $0xFFFF  }
0x24: {  	_ =	swait.ge [sflag:s22], $0x3400  }
0x25: {  	[sflag:s22] =	ssyncset.done $0x0  }
0x26: {  	s30 =	simm.s32 $0x2710;
	[sflag:s22] =	ssyncadd.s32 $0xFFFFCC00  }
0x27: {  	[spmem:s4] =	stream.indirect.scatter.add.f32 [tilespmem:s16], [sflag:$0x5], $0x80, s30, s15, $0xb8;
	[tilespmem:$0x1FE20] =	vst v63  }
0x28: {  	_ =	swait.ge [sflag:s13], $0x3400  }
0x29: {  	[sflag:s13] =	ssyncset.done $0x0  }
0x2a: {  	s30 =	simm.s32 $0xD0;
	[sflag:s13] =	ssyncadd.s32 $0xFFFFCC00  }
0x2b: {  	[tilespmem:s16], [sflag:$0x1] =	stream.indirect.gather [hbm4b:s1+s15], $0x80, s30, s15, $0xb8;
	[tilespmem:$0x1FE20] =	vst v63  }
0x2c: {  	_ =	swait.ge [sflag:s23], $0x3400  }
0x2d: {  	[sflag:s23] =	ssyncset.done $0x0  }
0x2e: {  	s30 =	simm.s32 $0x2778;
	[sflag:s23] =	ssyncadd.s32 $0xFFFFCC00  }
0x2f: {  	[spmem:s4] =	stream.indirect.scatter.add.f32 [tilespmem:s17], [sflag:$0x5], $0x80, s30, s15, $0xb8;
	[tilespmem:$0x1FE20] =	vst v63  }
0x30: {  	_ =	swait.ge [sflag:s13], $0x3400  }
0x31: {  	[sflag:s13] =	ssyncset.done $0x0  }
0x32: {  	s31 =	simm.s32 $0x138;
	s30 =	simm.s32 $0x340;
	[sflag:s13] =	ssyncadd.s32 $0xFFFFCC00  }
.LBB2_2:
0x33: {  	[tilespmem:s17], [sflag:$0x2] =	stream.indirect.gather [hbm4b:s1+s15], $0x80, s31, s15, $0xb8;
	[tilespmem:$0x1FE20] =	vst v63  }
0x34: {  	s31 =	smov.u32 s30  }
0x35: {  	p0 =	sne.s32 s30, $0x9580;
	s30 =	sadd.s32 $0x340, s30;
	_ =	swait.ge [sflag:s22], $0x3400  }
0x36: {  	s31 =	sshra.s32 s31, $0x2;
	[sflag:s22] =	ssyncset.done $0x0  }
0x37: {  	s2 =	sadd.s32 $0x2710, s31;
	[sflag:s22] =	ssyncadd.s32 $0xFFFFCC00  }
0x38: {  	[spmem:s4] =	stream.indirect.scatter.add.f32 [tilespmem:s16], [sflag:$0x5], $0x80, s2, s15, $0xb8;
	[tilespmem:$0x1FE20] =	vst v63  }
0x39: {  	_ =	swait.ge [sflag:s13], $0x3400  }
0x3a: {  	[sflag:s13] =	ssyncset.done $0x0  }
0x3b: {  	s2 =	sadd.s32 $0xD0, s31;
	[sflag:s13] =	ssyncadd.s32 $0xFFFFCC00  }
0x3c: {  	[tilespmem:s16], [sflag:$0x1] =	stream.indirect.gather [hbm4b:s1+s15], $0x80, s2, s15, $0xb8;
	[tilespmem:$0x1FE20] =	vst v63  }
0x3d: {  	_ =	swait.ge [sflag:s23], $0x3400  }
0x3e: {  	[sflag:s23] =	ssyncset.done $0x0  }
.Ltmp0:
0x3f: {  	s2 =	sadd.s32 $0x2778, s31;
	[sflag:s23] =	ssyncadd.s32 $0xFFFFCC00;
	(pc) =	sbr.rel @p0 .LBB2_2-.Ltmp0, $4  }
0x40: {  	[spmem:s4] =	stream.indirect.scatter.add.f32 [tilespmem:s17], [sflag:$0x5], $0x80, s2, s15, $0xb8;
	[tilespmem:$0x1FE20] =	vst v63  }
0x41: {  	_ =	swait.ge [sflag:s13], $0x3400  }
0x42: {  	[sflag:s13] =	ssyncset.done $0x0  }
0x43: {  	s31 =	sadd.s32 $0x138, s31;
	[sflag:s13] =	ssyncadd.s32 $0xFFFFCC00  }
0x44: {  	[tilespmem:s17], [sflag:$0x2] =	stream.indirect.gather [hbm4b:s1+s15], $0x80, s31, s15, $0xb8;
	[tilespmem:$0x1FE20] =	vst v63  }
0x45: {  	_ =	swait.ge [sflag:s22], $0x3400  }
0x46: {  	[sflag:s22] =	ssyncset.done $0x0  }
0x47: {  	[sflag:s22] =	ssyncadd.s32 $0xFFFFCC00  }
0x48: {  	[spmem:s4] =	stream.indirect.scatter.add.f32 [tilespmem:s16], [sflag:$0x5], $0x80, s24, s15, $0xb8;
	[tilespmem:$0x1FE20] =	vst v63  }
0x49: {  	_ =	swait.ge [sflag:s13], $0x3400  }
0x4a: {  	[sflag:s13] =	ssyncset.done $0x0  }
0x4b: {  	[sflag:s13] =	ssyncadd.s32 $0xFFFFCC00  }
0x4c: {  	_ =	swait.ge [sflag:s23], $0x3400  }
0x4d: {  	[sflag:s23] =	ssyncset.done $0x0  }
0x4e: {  	[sflag:s23] =	ssyncadd.s32 $0xFFFFCC00  }
0x4f: {  	[spmem:s4] =	stream.indirect.scatter.add.f32 [tilespmem:s17], [sflag:$0x5], $0x80, s25, s15, $0xb8;
	[tilespmem:$0x1FE20] =	vst v63  }
0x50: {  	_ =	swait.ge [sflag:s13], $0x3400  }
0x51: {  	[sflag:s13] =	ssyncset.done $0x0  }
0x52: {  	[sflag:s13] =	ssyncadd.s32 $0xFFFFCC00  }
0x53: {  	_ =	swait.ge [sflag:s26], $0x800  }
0x54: {  	[sflag:s26] =	ssyncset.done $0x0  }
0x55: {  	[sflag:s26] =	ssyncadd.s32 $0xFFFFF800  }
0x56: {  	[spmem:s4] =	stream.indirect.scatter.add.f32 [tilespmem:s20], [sflag:$0x5], $0x80, s28, s18, $0xb8;
	[tilespmem:$0x1FE20] =	vst v63  }
0x57: {  	_ =	swait.ge [sflag:s13], $0x800  }
0x58: {  	s29 =	sadd.s32 $0x1, s29;
	[sflag:s13] =	ssyncset.done $0x0  }
0x59: {  	p0 =	sne.s32 s29, s11;
	[sflag:s13] =	ssyncadd.s32 $0xFFFFF800  }
.Ltmp1:
0x5a: {  	s2 =	sor.u32 $0x1C05, s6;
	[bflag:$0x0] =	sbarrier.arrive $0xFFFF;
	(pc) =	sbr.rel @p0 .LBB2_1-.Ltmp1, $4  }
0x5b: {  	[hbm:s10], [sflag:s2] =	dma.local [spmem:s12], $0x2800  }
0x5c: {  	_ =	swait.ge [sflag:s13], $0x2800  }
0x5d: {  	[sflag:s13] =	ssyncset.done $0x0  }
0x5e: {  	[sflag:s13] =	ssyncadd.s32 $0xFFFFD800  }
0x5f: {  	_ =	sfence.sel $0x180000  }
0x60: {  	[bflag:$0x0] =	sbarrier.arrive $0xFFFF  }
0x61: {  	_ =	strace $0x9000004A  }
0x62: {  	[bflag:$0x2] =	sbarrier.arrive $0xFFFF  }
0x63: {  	p0 =	sne.s32 s0, $0x0;
	s0 =	rddreg [dreg:$0x4]  }
0x64: {  	s0 =	sadd.s32 @!p0 $0x100000, s0  }
0x65: {  	[sflag:s0] =	ssyncadd.tile.s32 @!p0 $0x1;
	_ =	shalt  }
.Lfunc_end2:
_tile_overlayer_lowered:
.L_overlay_start_2:
0x66: {  	(tag) =	ssettag $0x2  }
0x67: {  	s0 =	rddreg [dreg:$0x0];
	s2 =	stileid.u32  }
0x68: {  	s1 =	rddreg [dreg:$0x1];
	p0 =	sne.s32 s2, $0x0  }
0x69: {  	s3 =	rddreg [dreg:$0x2];
	[bflag:$0x3] =	sbarrier.arrive $0xFFFF;
	s2 =	simm.s32 @!p0 $0x1C05  }
0x6a: {  	[timem:s3], [sflag:s2] =	dma.local @!p0 [hbm:s0], s1  }
0x6b: {  	s0 =	simm.s32 @!p0 $0x5  }
0x6c: {  	_ =	swait.ge @!p0 [sflag:s0], s1  }
0x6d: {  	s1 =	ssub.s32 @!p0 $0x0, s1;
	[sflag:s0] =	ssyncset.done @!p0 $0x0  }
0x6e: {  	[sflag:s0] =	ssyncadd.s32 @!p0 s1  }
0x6f: {  	[bflag:$0x3] =	sbarrier.arrive $0xFFFF  }
0x70: {  	_ =	shalt  }

// kernel: kernel.17.cloned.1.call-start
scs
__scs_entry_jumppad:
0x0: {  	(pc) =	sbr.rel $0x88, $3  }
0x1: {  	(tag) =	ssettag $0x0;
	lr =	simm.s32 $0x1  }
0x2: {  	[smem:$0x3F99] =	sst lr;
	_ =	strace $0xD0000000  }
0x3: {  	_ = 	snop  }
0x4: {  	_ = 	snop  }
0x5: {  	_ = 	snop  }
0x6: {  	_ = 	snop  }
0x7: {  	_ = 	snop  }
__scs_overlays_trampoline_lowered:
0x8: {  	[smem:$0x3FA8] =	sst s0  }
0x9: {  	[smem:$0x3FA9] =	sst s1  }
0xa: {  	[smem:$0x3FAA] =	sst s2  }
0xb: {  	[smem:$0x3FAB] =	sst s3  }
0xc: {  	[smem:$0x3FAC] =	sst s4  }
0xd: {  	[smem:$0x3FAD] =	sst s5  }
0xe: {  	[smem:$0x3FAE] =	sst s6  }
0xf: {  	[smem:$0x3FAF] =	sst s7  }
0x10: {  	[smem:$0x3FB0] =	sst s8  }
0x11: {  	[smem:$0x3FB1] =	sst s9;
	s0 =	simm.s32 @!p0 $0x0  }
0x12: {  	s1 =	sld [smem:$0x3F97];
	s0 =	simm.s32 @p0 $0x1  }
0x13: {  	[smem:$0x3FB2] =	sst s0;
	s0 =	simm.s32 @!p1 $0x0  }
0x14: {  	s2 =	sld [smem:$0x3F96];
	s0 =	simm.s32 @p1 $0x1  }
0x15: {  	[smem:$0x3FB3] =	sst s0;
	s0 =	simm.s32 @!p2 $0x0  }
0x16: {  	s3 =	sld [smem:$0x3FDB];
	s0 =	simm.s32 @p2 $0x1  }
0x17: {  	s4 =	simm.s32 $0x1BF5;
	[smem:$0x3FB5] =	sst s0  }
0x18: {  	s0 =	sld [smem:$0x3F98];
	_ =	swait.ge [sflag:s4], $0x0  }
0x19: {  	s7 =	sld [smem:$0x3F99]  }
0x1a: {  	s8 =	sadd.s32 $0xFFFFE003, lr  }
0x1b: {  	s9 =	sadd.s32 $0xFFFFFEF7, lr;
	s5 =	simm.s32 $0xFFFFFFFF;
	p2 =	slt.u32 s8, $0xFFFFF086  }
0x1c: {  	p1 =	slt.u32 s9, $0xF7A;
	s5 =	simm.s32 @!p2 $0x0  }
0x1d: {  	s5 =	simm.s32 @p1 $0x1;
	p0 =	seq.s32 s7, s2  }
0x1e: {  	s7 =	smul.u32 @!p0 $0xF7A, s2;
	p2 =	seq.s32 @!p0 s5, $0x0  }
0x1f: {  	s9 =	smul.u32 $0xF7A, s1;
	s8 =	simm.s32 @!p0 $0x1BF5;
	p2 =	por !p2, p0  }
0x20: {  	[sflag:s8] =	ssyncset.s32 @!p0 $0xFFFFF086;
	s6 =	sadd.s32 @!p0 s3, s7;
	s7 =	simm.s32 @!p0 $0x108  }
0x21: {  	s3 =	sadd.s32 s3, s9;
	s6 =	sadd.s32 @!p0 $0x88, s6;
	s7 =	simm.s32 @p2 $0x1082  }
0x22: {  	[simem:s7], [sflag:s8] =	dma.local @!p0 [hbm:s6], $0xF7A  }
0x23: {  	s9 =	sor.u32 $0xD0000000, s2;
	s6 =	simm.s32 $0x108;
	_ =	swait.ge @!p0 [sflag:s8], $0x0  }
0x24: {  	s3 =	sadd.s32 $0x88, s3;
	s6 =	simm.s32 @!p1 $0x1082;
	[sflag:s4] =	ssyncset.s32 $0xFFFFF086  }
0x25: {  	[simem:s6], [sflag:s4] =	dma.local [hbm:s3], $0xF7A  }
0x26: {  	[smem:$0x3F99] =	sst s1;
	(tag) =	ssettag s2;
	_ =	strace s9  }
0x27: {  	s1 =	sld [smem:$0x3FA9]  }
0x28: {  	s2 =	sld [smem:$0x3FAA]  }
0x29: {  	s4 =	sld [smem:$0x3FAC]  }
0x2a: {  	p0 =	seq.s32 s5, $0x0;
	s5 =	sld [smem:$0x3FAD]  }
0x2b: {  	s6 =	sld [smem:$0x3FAE]  }
0x2c: {  	s7 =	sld [smem:$0x3FAF]  }
0x2d: {  	s3 =	simm.s32 $0x108;
	s8 =	sld [smem:$0x3FB0]  }
0x2e: {  	s3 =	simm.s32 @!p0 $0x1082;
	s9 =	sld [smem:$0x3FB1]  }
0x2f: {  	lr =	sadd.s32 s0, s3;
	s0 =	sld [smem:$0x3FA8]  }
0x30: {  	s3 =	sld [smem:$0x3FAB]  }
0x31: {  	[smem:$0x3FB4] =	sst s10  }
0x32: {  	s10 =	sld [smem:$0x3FB2];
	_ =	sdelay $0x3  }
0x33: {  	p0 =	seq.s32 s10, $0x1;
	s10 =	sld [smem:$0x3FB4];
	_ =	sdelay $0x3  }
0x34: {  	[smem:$0x3FB4] =	sst s10  }
0x35: {  	s10 =	sld [smem:$0x3FB3];
	_ =	sdelay $0x3  }
0x36: {  	p1 =	seq.s32 s10, $0x1;
	s10 =	sld [smem:$0x3FB4];
	_ =	sdelay $0x3  }
0x37: {  	[smem:$0x3FB4] =	sst s10  }
0x38: {  	s10 =	sld [smem:$0x3FB5]  }
0x39: {  	_ = 	snop;
	(pc) =	sbr.ind lr, $3  }
0x3a: {  	_ = 	snop  }
0x3b: {  	_ = 	snop  }
0x3c: {  	p2 =	seq.s32 s10, $0x1;
	s10 =	sld [smem:$0x3FB4]  }
0x3d: {  	_ =	shalt  }
0x3e: {  	_ =	shalt  }
0x3f: {  	_ =	shalt  }
0x40: {  	_ =	shalt  }
0x41: {  	_ =	shalt  }
0x42: {  	_ =	shalt  }
0x43: {  	_ =	shalt  }
0x44: {  	_ =	shalt  }
0x45: {  	_ =	shalt  }
0x46: {  	_ =	shalt  }
0x47: {  	_ =	shalt  }
0x48: {  	_ =	shalt  }
0x49: {  	_ =	shalt  }
0x4a: {  	_ =	shalt  }
0x4b: {  	_ =	shalt  }
0x4c: {  	_ =	shalt  }
0x4d: {  	_ =	shalt  }
0x4e: {  	_ =	shalt  }
0x4f: {  	_ =	shalt  }
0x50: {  	_ =	shalt  }
0x51: {  	_ =	shalt  }
0x52: {  	_ =	shalt  }
0x53: {  	_ =	shalt  }
0x54: {  	_ =	shalt  }
0x55: {  	_ =	shalt  }
0x56: {  	_ =	shalt  }
0x57: {  	_ =	shalt  }
0x58: {  	_ =	shalt  }
0x59: {  	_ =	shalt  }
0x5a: {  	_ =	shalt  }
0x5b: {  	_ =	shalt  }
0x5c: {  	_ =	shalt  }
0x5d: {  	_ =	shalt  }
0x5e: {  	_ =	shalt  }
0x5f: {  	_ =	shalt  }
0x60: {  	_ =	shalt  }
0x61: {  	_ =	shalt  }
0x62: {  	_ =	shalt  }
0x63: {  	_ =	shalt  }
0x64: {  	_ =	shalt  }
0x65: {  	_ =	shalt  }
0x66: {  	_ =	shalt  }
0x67: {  	_ =	shalt  }
0x68: {  	_ =	shalt  }
0x69: {  	_ =	shalt  }
0x6a: {  	_ =	shalt  }
0x6b: {  	_ =	shalt  }
0x6c: {  	_ =	shalt  }
0x6d: {  	_ =	shalt  }
0x6e: {  	_ =	shalt  }
0x6f: {  	_ =	shalt  }
0x70: {  	_ =	shalt  }
0x71: {  	_ =	shalt  }
0x72: {  	_ =	shalt  }
0x73: {  	_ =	shalt  }
0x74: {  	_ =	shalt  }
0x75: {  	_ =	shalt  }
0x76: {  	_ =	shalt  }
0x77: {  	_ =	shalt  }
0x78: {  	_ =	shalt  }
0x79: {  	_ =	shalt  }
0x7a: {  	_ =	shalt  }
0x7b: {  	_ =	shalt  }
0x7c: {  	_ =	shalt  }
0x7d: {  	_ =	shalt  }
0x7e: {  	_ =	shalt  }
0x7f: {  	_ =	shalt  }
0x80: {  	_ =	shalt  }
0x81: {  	_ =	shalt  }
0x82: {  	_ =	shalt  }
0x83: {  	_ =	shalt  }
0x84: {  	_ =	shalt  }
0x85: {  	_ =	shalt  }
0x86: {  	_ =	shalt  }
0x87: {  	_ =	shalt  }
.Lfunc_end0:
.L_simem_size_0:
called_computation.2_lowered:
.L_overlay_start_0:
0x88: {  	s2 =	sld [smem:$0x3FD9]  }
0x89: {  	s3 =	sld [smem:$0x3FFE];
	_ =	sdelay $0x1  }
0x8a: {  	s1 =	srdreg.scid  }
0x8b: {  	s0 =	sand.u32 $0x1, s1  }
0x8c: {  	s14 =	sshll.u32 s0, $0xA;
	s2 =	sadd.s32 s3, s2  }
0x8d: {  	s2 =	sadd.s32 s2, s14  }
0x8e: {  	[smem:$0x3FC0] =	sst s2  }
0x8f: {  	_ = 	snop  }
0x90: {  	s2 =	sld [smem:$0x3FD0];
	_ =	sdelay $0x2  }
0x91: {  	s15 =	simm.s32 $0xA;
	s4 =	simm.s32 $0x10  }
0x92: {  	[smem:s4], [sflag:s15] =	dma.local [hbm:s2], $0x1  }
0x93: {  	_ =	swait.eq [sflag:s15], $0x1  }
0x94: {  	[sflag:s15] =	ssyncset.done $0x0  }
0x95: {  	s16 =	sld [smem:$0x10];
	[sflag:s15] =	ssyncadd.s32 $0xFFFFFFFF  }
0x96: {  	s17 =	sld [smem:$0x12];
	(tm) =	ssettm $0x1  }
0x97: {  	s18 =	sld [smem:$0x3FFB];
	_ =	sdelay $0x3  }
0x98: {  	_ =	strace s18  }
0x99: {  	s4 =	sld [smem:$0x3FFC];
	_ =	sdelay $0x3  }
0x9a: {  	_ =	strace s4  }
0x9b: {  	s4 =	sld [smem:$0x3FFD];
	_ =	sdelay $0x3  }
0x9c: {  	_ =	strace s4  }
0x9d: {  	_ =	strace $0x8FFFFFFF  }
0x9e: {  	s19 =	sld [smem:$0x3FDB];
	_ =	sdelay $0x1  }
0x9f: {  	s5 =	simm.s32 $_scs_section_size  }
0xa0: {  	s6 =	simm.s32 $_size__tile_overlayer_lowered;
	s7 =	simm.s32 $_tile_overlayer_lowered  }
0xa1: {  	s22 =	simm.s32 $0x1BFF;
	s21 =	sshll.u32 s7, $0x1;
	s4 =	sadd.s32 s5, s19  }
0xa2: {  	s8 =	simm.s32 $0x0;
	s20 =	sshll.u32 s6, $0x1;
	s6 =	sadd.s32 s21, s4  }
0xa3: {  	[timem:s8], [sflag:s22] =	dma.local [hbm:s6], s20  }
0xa4: {  	_ =	swait.ge [sflag:s22], s20  }
0xa5: {  	s5 =	ssub.s32 $0x0, s20;
	[sflag:s22] =	ssyncset.done $0x0  }
0xa6: {  	[sflag:s22] =	ssyncadd.s32 s5;
	_ =	sdelay $0x1  }
0xa7: {  	s23 =	simm.s32 $0x1B8B  }
0xa8: {  	_ =	swait.ge [sflag:s23], $0x1  }
0xa9: {  	[sflag:s23] =	ssyncset.done $0x0  }
0xaa: {  	s25 =	simm.s32 $0x1B8E;
	s24 =	sld [smem:$0x3FFE];
	[sflag:s23] =	ssyncadd.s32 $0xFFFFFFFF  }
0xab: {  	s26 =	simm.s32 $execute0_lowered;
	[smem:$0x3FD2] =	sst s25  }
0xac: {  	s6 =	sshll.u32 s26, $0x1;
	_ =	strace $0x8000004C;
	[dreg:$0x1] =	wrdreg $0xFFFFFFFF  }
0xad: {  	s28 =	simm.s32 $_size_execute0_lowered;
	s4 =	sadd.s32 s4, s6;
	[dreg:$0x0] =	wrdreg $0x0  }
0xae: {  	s6 =	sshll.u32 s28, $0x1;
	[dreg:$0x2] =	wrdreg s4  }
0xaf: {  	[dreg:$0x3] =	wrdreg s6  }
0xb0: {  	[dreg:$0x4] =	wrdreg $0xC0  }
0xb1: {  	_ =	task [dreg:s8], $0x5FFFF  }
0xb2: {  	[dreg:$0x1] =	wrdreg $0xFFFFFFFF  }
0xb3: {  	[dreg:$0x0] =	wrdreg $0x60  }
0xb4: {  	[dreg:$0x2] =	wrdreg s17  }
0xb5: {  	[dreg:$0x3] =	wrdreg s24  }
0xb6: {  	[dreg:$0x4] =	wrdreg s16  }
0xb7: {  	[dreg:$0x5] =	wrdreg $0xBE200  }
0xb8: {  	[dreg:$0x6] =	wrdreg $0x9  }
0xb9: {  	_ =	task.clear_ibuf [dreg:s8], $0x7FFFF;
	_ =	strace $0x9000004C  }
0xba: {  	s29 =	simm.s32 $0x9;
	_ =	strace $0x8000004E  }
0xbb: {  	_ =	swait.ge [sflag:s29], $0x1  }
0xbc: {  	[sflag:s29] =	ssyncadd.s32 $0xFFFFFFFF  }
0xbd: {  	_ =	strace $0x9000004E  }
0xbe: {  	_ =	sfence  }
0xbf: {  	s30 =	sld [smem:$0x0];
	_ =	sdelay $0x2  }
0xc0: {  	s31 =	sshll.u32 s1, $0xD;
	s1 =	sshrl.u32 s1, $0x2  }
0xc1: {  	s3 =	sand.u32 $0x4000, s31;
	s1 =	sadd.s32 s1, s30  }
0xc2: {  	s0 =	sor.u32 s3, s0;
	s1 =	sshll.u32 s1, $0x11  }
0xc3: {  	s0 =	sor.u32 s1, s0  }
0xc4: {  	s0 =	sadd.s32 $0x8F2B, s0  }
0xc5: {  	[sflag:s0] =	ssyncadd.remote.s32 $0x1  }
0xc6: {  	_ =	sfence.sel $0xFFFF  }
0xc7: {  	[dreg:$0x0] =	wrdreg $0xFFFFFFFF;
	(pc) =	sbr.abs _section_cstart, $3  }
0xc8: {  	[dreg:$0x1] =	wrdreg $0xFFFFFFFF  }
0xc9: {  	_ =	task.clear_ibuf [dreg:s8], $0x2FFFF;
	_ =	strace $0x9FFFFFFF  }
0xca: {  	(tm) =	ssettm $0x7FFFFFFF  }
0xcb: {  	_ =	shalt  }
tec
execute0_lowered:
.L_overlay_start_1:
0x0: {  	(tag) =	ssettag $0x1  }
0x1: {  	s1 =	rddreg [dreg:$0x0]  }
0x2: {  	s2 =	srdreg.scid;
	s7 =	rddreg [dreg:$0x1]  }
0x3: {  	s0 =	stileid.u32;
	s3 =	rddreg [dreg:$0x2]  }
0x4: {  	s4 =	rddreg [dreg:$0x3];
	s5 =	simm.s32 $0x0;
	s15 =	simm.s32 $0x68  }
0x5: {  	s16 =	simm.s32 $0x4E20;
	s17 =	simm.s32 $0x8220;
	s18 =	simm.s32 $0x10  }
0x6: {  	s19 =	simm.s32 $0x2700;
	s20 =	simm.s32 $0xB620;
	s21 =	simm.s32 $0x4  }
0x7: {  	s22 =	simm.s32 $0x1;
	s23 =	simm.s32 $0x2;
	s24 =	simm.s32 $0x4D40  }
0x8: {  	s28 =	simm.s32 $0x4E10;
	s29 =	simm.s32 $0x0;
	s6 =	sand.u32 $0x1, s2  }
0x9: {  	s25 =	sshll.u32 s0, $0x1;
	s9 =	smul.u32 $0x14000, s0;
	[smem:$0x7FF] =	sst s5  }
0xa: {  	s2 =	sor.u32 s6, s25;
	s10 =	smul.u32 $0x140000, s6;
	_ =	strace $0x8000004D  }
0xb: {  	s30 =	ssub.s32 $0x2, s6;
	s6 =	sshll.u32 s0, $0x6;
	s8 =	smul.u32 $0x2710, s2  }
0xc: {  	s25 =	simm.s32 $0x4DA8;
	s31 =	sshrl.u32 s30, $0x1;
	s10 =	sadd.s32 s9, s10  }
0xd: {  	s14 =	sadd.s32 s9, s4;
	s8 =	sshrl.u32 s8, $0x3;
	s26 =	sshrl.u32 s10, $0x3  }
0xe: {  	s13 =	ssub.s32 s30, s31;
	s11 =	sadd.s32 s8, s7;
	s12 =	sadd.s32 s26, s7  }
0xf: {  	s7 =	sor.u32 $0x1C04, s6;
	s26 =	simm.s32 $0x3;
	s8 =	sadd.s32 $0x3400, s11  }
0x10: {  	s9 =	sadd.s32 $0xD040, s11;
	s10 =	sadd.s32 $0x16E00, s12;
	s11 =	smax.u32 s13, $0x1  }
0x11: {  	s12 =	sshrl.u32 s14, $0x3;
	s13 =	simm.s32 $0x5;
	s14 =	simm.s32 $0x2710  }
.LBB2_1:
0x12: {  	[spmem:s12], [sflag:s7] =	dma.local [hbm:s3], $0x2800  }
0x13: {  	[tilespmem:s5], [sflag:$0x5] =	stream.linear.gather [hbm4b:s8+s5], $0x2710, $0x38;
	[tilespmem:$0x1FE20] =	vst v63  }
0x14: {  	_ =	swait.ge [sflag:s13], $0x2710  }
0x15: {  	[sflag:s13] =	ssyncset.done $0x0  }
0x16: {  	[sflag:s13] =	ssyncadd.s32 $0xFFFFD8F0  }
0x17: {  	[tilespmem:s14], [sflag:$0x5] =	stream.linear.gather [hbm4b:s9+s5], $0x2710, $0x38;
	[tilespmem:$0x1FE20] =	vst v63  }
0x18: {  	_ =	swait.ge [sflag:s13], $0x2710  }
0x19: {  	[sflag:s13] =	ssyncset.done $0x0  }
0x1a: {  	[sflag:s13] =	ssyncadd.s32 $0xFFFFD8F0  }
0x1b: {  	[tilespmem:s16], [sflag:$0x1] =	stream.indirect.gather [hbm4b:s1+s15], $0x80, s5, s15, $0xb8;
	[tilespmem:$0x1FE20] =	vst v63  }
0x1c: {  	_ = 	snop  }
0x1d: {  	[tilespmem:s17], [sflag:$0x2] =	stream.indirect.gather [hbm4b:s1+s15], $0x80, s15, s15, $0xb8;
	[tilespmem:$0x1FE20] =	vst v63  }
0x1e: {  	_ = 	snop  }
0x1f: {  	[tilespmem:s20], [sflag:$0x3] =	stream.indirect.gather [hbm4b:s1+s18], $0x80, s19, s18, $0xb8;
	[tilespmem:$0x1FE20] =	vst v63  }
0x20: {  	_ =	swait.ge [sflag:s21], $0x2800  }
0x21: {  	[sflag:s21] =	ssyncset.done $0x0  }
0x22: {  	[sflag:s21] =	ssyncadd.s32 $0xFFFFD800  }
0x23: {  	[bflag:$0x0] =	sbarrier.arrive $0xFFFF  }
0x24: {  	_ =	swait.ge [sflag:s22], $0x3400  }
0x25: {  	[sflag:s22] =	ssyncset.done $0x0  }
0x26: {  	s30 =	simm.s32 $0x2710;
	[sflag:s22] =	ssyncadd.s32 $0xFFFFCC00  }
0x27: {  	[spmem:s4] =	stream.indirect.scatter.add.f32 [tilespmem:s16], [sflag:$0x5], $0x80, s30, s15, $0xb8;
	[tilespmem:$0x1FE20] =	vst v63  }
0x28: {  	_ =	swait.ge [sflag:s13], $0x3400  }
0x29: {  	[sflag:s13] =	ssyncset.done $0x0  }
0x2a: {  	s30 =	simm.s32 $0xD0;
	[sflag:s13] =	ssyncadd.s32 $0xFFFFCC00  }
0x2b: {  	[tilespmem:s16], [sflag:$0x1] =	stream.indirect.gather [hbm4b:s1+s15], $0x80, s30, s15, $0xb8;
	[tilespmem:$0x1FE20] =	vst v63  }
0x2c: {  	_ =	swait.ge [sflag:s23], $0x3400  }
0x2d: {  	[sflag:s23] =	ssyncset.done $0x0  }
0x2e: {  	s30 =	simm.s32 $0x2778;
	[sflag:s23] =	ssyncadd.s32 $0xFFFFCC00  }
0x2f: {  	[spmem:s4] =	stream.indirect.scatter.add.f32 [tilespmem:s17], [sflag:$0x5], $0x80, s30, s15, $0xb8;
	[tilespmem:$0x1FE20] =	vst v63  }
0x30: {  	_ =	swait.ge [sflag:s13], $0x3400  }
0x31: {  	[sflag:s13] =	ssyncset.done $0x0  }
0x32: {  	s31 =	simm.s32 $0x138;
	s30 =	simm.s32 $0x340;
	[sflag:s13] =	ssyncadd.s32 $0xFFFFCC00  }
.LBB2_2:
0x33: {  	[tilespmem:s17], [sflag:$0x2] =	stream.indirect.gather [hbm4b:s1+s15], $0x80, s31, s15, $0xb8;
	[tilespmem:$0x1FE20] =	vst v63  }
0x34: {  	s31 =	smov.u32 s30  }
0x35: {  	p0 =	sne.s32 s30, $0x9580;
	s30 =	sadd.s32 $0x340, s30;
	_ =	swait.ge [sflag:s22], $0x3400  }
0x36: {  	s31 =	sshra.s32 s31, $0x2;
	[sflag:s22] =	ssyncset.done $0x0  }
0x37: {  	s2 =	sadd.s32 $0x2710, s31;
	[sflag:s22] =	ssyncadd.s32 $0xFFFFCC00  }
0x38: {  	[spmem:s4] =	stream.indirect.scatter.add.f32 [tilespmem:s16], [sflag:$0x5], $0x80, s2, s15, $0xb8;
	[tilespmem:$0x1FE20] =	vst v63  }
0x39: {  	_ =	swait.ge [sflag:s13], $0x3400  }
0x3a: {  	[sflag:s13] =	ssyncset.done $0x0  }
0x3b: {  	s2 =	sadd.s32 $0xD0, s31;
	[sflag:s13] =	ssyncadd.s32 $0xFFFFCC00  }
0x3c: {  	[tilespmem:s16], [sflag:$0x1] =	stream.indirect.gather [hbm4b:s1+s15], $0x80, s2, s15, $0xb8;
	[tilespmem:$0x1FE20] =	vst v63  }
0x3d: {  	_ =	swait.ge [sflag:s23], $0x3400  }
0x3e: {  	[sflag:s23] =	ssyncset.done $0x0  }
.Ltmp0:
0x3f: {  	s2 =	sadd.s32 $0x2778, s31;
	[sflag:s23] =	ssyncadd.s32 $0xFFFFCC00;
	(pc) =	sbr.rel @p0 .LBB2_2-.Ltmp0, $4  }
0x40: {  	[spmem:s4] =	stream.indirect.scatter.add.f32 [tilespmem:s17], [sflag:$0x5], $0x80, s2, s15, $0xb8;
	[tilespmem:$0x1FE20] =	vst v63  }
0x41: {  	_ =	swait.ge [sflag:s13], $0x3400  }
0x42: {  	[sflag:s13] =	ssyncset.done $0x0  }
0x43: {  	s31 =	sadd.s32 $0x138, s31;
	[sflag:s13] =	ssyncadd.s32 $0xFFFFCC00  }
0x44: {  	[tilespmem:s17], [sflag:$0x2] =	stream.indirect.gather [hbm4b:s1+s15], $0x80, s31, s15, $0xb8;
	[tilespmem:$0x1FE20] =	vst v63  }
0x45: {  	_ =	swait.ge [sflag:s22], $0x3400  }
0x46: {  	[sflag:s22] =	ssyncset.done $0x0  }
0x47: {  	[sflag:s22] =	ssyncadd.s32 $0xFFFFCC00  }
0x48: {  	[spmem:s4] =	stream.indirect.scatter.add.f32 [tilespmem:s16], [sflag:$0x5], $0x80, s24, s15, $0xb8;
	[tilespmem:$0x1FE20] =	vst v63  }
0x49: {  	_ =	swait.ge [sflag:s13], $0x3400  }
0x4a: {  	[sflag:s13] =	ssyncset.done $0x0  }
0x4b: {  	[sflag:s13] =	ssyncadd.s32 $0xFFFFCC00  }
0x4c: {  	_ =	swait.ge [sflag:s23], $0x3400  }
0x4d: {  	[sflag:s23] =	ssyncset.done $0x0  }
0x4e: {  	[sflag:s23] =	ssyncadd.s32 $0xFFFFCC00  }
0x4f: {  	[spmem:s4] =	stream.indirect.scatter.add.f32 [tilespmem:s17], [sflag:$0x5], $0x80, s25, s15, $0xb8;
	[tilespmem:$0x1FE20] =	vst v63  }
0x50: {  	_ =	swait.ge [sflag:s13], $0x3400  }
0x51: {  	[sflag:s13] =	ssyncset.done $0x0  }
0x52: {  	[sflag:s13] =	ssyncadd.s32 $0xFFFFCC00  }
0x53: {  	_ =	swait.ge [sflag:s26], $0x800  }
0x54: {  	[sflag:s26] =	ssyncset.done $0x0  }
0x55: {  	[sflag:s26] =	ssyncadd.s32 $0xFFFFF800  }
0x56: {  	[spmem:s4] =	stream.indirect.scatter.add.f32 [tilespmem:s20], [sflag:$0x5], $0x80, s28, s18, $0xb8;
	[tilespmem:$0x1FE20] =	vst v63  }
0x57: {  	_ =	swait.ge [sflag:s13], $0x800  }
0x58: {  	s29 =	sadd.s32 $0x1, s29;
	[sflag:s13] =	ssyncset.done $0x0  }
0x59: {  	p0 =	sne.s32 s29, s11;
	[sflag:s13] =	ssyncadd.s32 $0xFFFFF800  }
.Ltmp1:
0x5a: {  	s2 =	sor.u32 $0x1C05, s6;
	[bflag:$0x0] =	sbarrier.arrive $0xFFFF;
	(pc) =	sbr.rel @p0 .LBB2_1-.Ltmp1, $4  }
0x5b: {  	[hbm:s10], [sflag:s2] =	dma.local [spmem:s12], $0x2800  }
0x5c: {  	_ =	swait.ge [sflag:s13], $0x2800  }
0x5d: {  	[sflag:s13] =	ssyncset.done $0x0  }
0x5e: {  	[sflag:s13] =	ssyncadd.s32 $0xFFFFD800  }
0x5f: {  	_ =	sfence.sel $0x180000  }
0x60: {  	[bflag:$0x0] =	sbarrier.arrive $0xFFFF  }
0x61: {  	_ =	strace $0x9000004D  }
0x62: {  	[bflag:$0x2] =	sbarrier.arrive $0xFFFF  }
0x63: {  	p0 =	sne.s32 s0, $0x0;
	s0 =	rddreg [dreg:$0x4]  }
0x64: {  	s0 =	sadd.s32 @!p0 $0x100000, s0  }
0x65: {  	[sflag:s0] =	ssyncadd.tile.s32 @!p0 $0x1;
	_ =	shalt  }
.Lfunc_end2:
_tile_overlayer_lowered:
.L_overlay_start_2:
0x66: {  	(tag) =	ssettag $0x2  }
0x67: {  	s0 =	rddreg [dreg:$0x0];
	s2 =	stileid.u32  }
0x68: {  	s1 =	rddreg [dreg:$0x1];
	p0 =	sne.s32 s2, $0x0  }
0x69: {  	s3 =	rddreg [dreg:$0x2];
	[bflag:$0x3] =	sbarrier.arrive $0xFFFF;
	s2 =	simm.s32 @!p0 $0x1C05  }
0x6a: {  	[timem:s3], [sflag:s2] =	dma.local @!p0 [hbm:s0], s1  }
0x6b: {  	s0 =	simm.s32 @!p0 $0x5  }
0x6c: {  	_ =	swait.ge @!p0 [sflag:s0], s1  }
0x6d: {  	s1 =	ssub.s32 @!p0 $0x0, s1;
	[sflag:s0] =	ssyncset.done @!p0 $0x0  }
0x6e: {  	[sflag:s0] =	ssyncadd.s32 @!p0 s1  }
0x6f: {  	[bflag:$0x3] =	sbarrier.arrive $0xFFFF  }
0x70: {  	_ =	shalt  }

// kernel: kernel.20.cloned.1.call-start
scs
__scs_entry_jumppad:
0x0: {  	(pc) =	sbr.rel $0x88, $3  }
0x1: {  	(tag) =	ssettag $0x0;
	lr =	simm.s32 $0x1  }
0x2: {  	[smem:$0x3F99] =	sst lr;
	_ =	strace $0xD0000000  }
0x3: {  	_ = 	snop  }
0x4: {  	_ = 	snop  }
0x5: {  	_ = 	snop  }
0x6: {  	_ = 	snop  }
0x7: {  	_ = 	snop  }
__scs_overlays_trampoline_lowered:
0x8: {  	[smem:$0x3FA8] =	sst s0  }
0x9: {  	[smem:$0x3FA9] =	sst s1  }
0xa: {  	[smem:$0x3FAA] =	sst s2  }
0xb: {  	[smem:$0x3FAB] =	sst s3  }
0xc: {  	[smem:$0x3FAC] =	sst s4  }
0xd: {  	[smem:$0x3FAD] =	sst s5  }
0xe: {  	[smem:$0x3FAE] =	sst s6  }
0xf: {  	[smem:$0x3FAF] =	sst s7  }
0x10: {  	[smem:$0x3FB0] =	sst s8  }
0x11: {  	[smem:$0x3FB1] =	sst s9;
	s0 =	simm.s32 @!p0 $0x0  }
0x12: {  	s1 =	sld [smem:$0x3F97];
	s0 =	simm.s32 @p0 $0x1  }
0x13: {  	[smem:$0x3FB2] =	sst s0;
	s0 =	simm.s32 @!p1 $0x0  }
0x14: {  	s2 =	sld [smem:$0x3F96];
	s0 =	simm.s32 @p1 $0x1  }
0x15: {  	[smem:$0x3FB3] =	sst s0;
	s0 =	simm.s32 @!p2 $0x0  }
0x16: {  	s3 =	sld [smem:$0x3FDB];
	s0 =	simm.s32 @p2 $0x1  }
0x17: {  	s4 =	simm.s32 $0x1BF5;
	[smem:$0x3FB5] =	sst s0  }
0x18: {  	s0 =	sld [smem:$0x3F98];
	_ =	swait.ge [sflag:s4], $0x0  }
0x19: {  	s7 =	sld [smem:$0x3F99]  }
0x1a: {  	s8 =	sadd.s32 $0xFFFFE003, lr  }
0x1b: {  	s9 =	sadd.s32 $0xFFFFFEF7, lr;
	s5 =	simm.s32 $0xFFFFFFFF;
	p2 =	slt.u32 s8, $0xFFFFF086  }
0x1c: {  	p1 =	slt.u32 s9, $0xF7A;
	s5 =	simm.s32 @!p2 $0x0  }
0x1d: {  	s5 =	simm.s32 @p1 $0x1;
	p0 =	seq.s32 s7, s2  }
0x1e: {  	s7 =	smul.u32 @!p0 $0xF7A, s2;
	p2 =	seq.s32 @!p0 s5, $0x0  }
0x1f: {  	s9 =	smul.u32 $0xF7A, s1;
	s8 =	simm.s32 @!p0 $0x1BF5;
	p2 =	por !p2, p0  }
0x20: {  	[sflag:s8] =	ssyncset.s32 @!p0 $0xFFFFF086;
	s6 =	sadd.s32 @!p0 s3, s7;
	s7 =	simm.s32 @!p0 $0x108  }
0x21: {  	s3 =	sadd.s32 s3, s9;
	s6 =	sadd.s32 @!p0 $0x88, s6;
	s7 =	simm.s32 @p2 $0x1082  }
0x22: {  	[simem:s7], [sflag:s8] =	dma.local @!p0 [hbm:s6], $0xF7A  }
0x23: {  	s9 =	sor.u32 $0xD0000000, s2;
	s6 =	simm.s32 $0x108;
	_ =	swait.ge @!p0 [sflag:s8], $0x0  }
0x24: {  	s3 =	sadd.s32 $0x88, s3;
	s6 =	simm.s32 @!p1 $0x1082;
	[sflag:s4] =	ssyncset.s32 $0xFFFFF086  }
0x25: {  	[simem:s6], [sflag:s4] =	dma.local [hbm:s3], $0xF7A  }
0x26: {  	[smem:$0x3F99] =	sst s1;
	(tag) =	ssettag s2;
	_ =	strace s9  }
0x27: {  	s1 =	sld [smem:$0x3FA9]  }
0x28: {  	s2 =	sld [smem:$0x3FAA]  }
0x29: {  	s4 =	sld [smem:$0x3FAC]  }
0x2a: {  	p0 =	seq.s32 s5, $0x0;
	s5 =	sld [smem:$0x3FAD]  }
0x2b: {  	s6 =	sld [smem:$0x3FAE]  }
0x2c: {  	s7 =	sld [smem:$0x3FAF]  }
0x2d: {  	s3 =	simm.s32 $0x108;
	s8 =	sld [smem:$0x3FB0]  }
0x2e: {  	s3 =	simm.s32 @!p0 $0x1082;
	s9 =	sld [smem:$0x3FB1]  }
0x2f: {  	lr =	sadd.s32 s0, s3;
	s0 =	sld [smem:$0x3FA8]  }
0x30: {  	s3 =	sld [smem:$0x3FAB]  }
0x31: {  	[smem:$0x3FB4] =	sst s10  }
0x32: {  	s10 =	sld [smem:$0x3FB2];
	_ =	sdelay $0x3  }
0x33: {  	p0 =	seq.s32 s10, $0x1;
	s10 =	sld [smem:$0x3FB4];
	_ =	sdelay $0x3  }
0x34: {  	[smem:$0x3FB4] =	sst s10  }
0x35: {  	s10 =	sld [smem:$0x3FB3];
	_ =	sdelay $0x3  }
0x36: {  	p1 =	seq.s32 s10, $0x1;
	s10 =	sld [smem:$0x3FB4];
	_ =	sdelay $0x3  }
0x37: {  	[smem:$0x3FB4] =	sst s10  }
0x38: {  	s10 =	sld [smem:$0x3FB5]  }
0x39: {  	_ = 	snop;
	(pc) =	sbr.ind lr, $3  }
0x3a: {  	_ = 	snop  }
0x3b: {  	_ = 	snop  }
0x3c: {  	p2 =	seq.s32 s10, $0x1;
	s10 =	sld [smem:$0x3FB4]  }
0x3d: {  	_ =	shalt  }
0x3e: {  	_ =	shalt  }
0x3f: {  	_ =	shalt  }
0x40: {  	_ =	shalt  }
0x41: {  	_ =	shalt  }
0x42: {  	_ =	shalt  }
0x43: {  	_ =	shalt  }
0x44: {  	_ =	shalt  }
0x45: {  	_ =	shalt  }
0x46: {  	_ =	shalt  }
0x47: {  	_ =	shalt  }
0x48: {  	_ =	shalt  }
0x49: {  	_ =	shalt  }
0x4a: {  	_ =	shalt  }
0x4b: {  	_ =	shalt  }
0x4c: {  	_ =	shalt  }
0x4d: {  	_ =	shalt  }
0x4e: {  	_ =	shalt  }
0x4f: {  	_ =	shalt  }
0x50: {  	_ =	shalt  }
0x51: {  	_ =	shalt  }
0x52: {  	_ =	shalt  }
0x53: {  	_ =	shalt  }
0x54: {  	_ =	shalt  }
0x55: {  	_ =	shalt  }
0x56: {  	_ =	shalt  }
0x57: {  	_ =	shalt  }
0x58: {  	_ =	shalt  }
0x59: {  	_ =	shalt  }
0x5a: {  	_ =	shalt  }
0x5b: {  	_ =	shalt  }
0x5c: {  	_ =	shalt  }
0x5d: {  	_ =	shalt  }
0x5e: {  	_ =	shalt  }
0x5f: {  	_ =	shalt  }
0x60: {  	_ =	shalt  }
0x61: {  	_ =	shalt  }
0x62: {  	_ =	shalt  }
0x63: {  	_ =	shalt  }
0x64: {  	_ =	shalt  }
0x65: {  	_ =	shalt  }
0x66: {  	_ =	shalt  }
0x67: {  	_ =	shalt  }
0x68: {  	_ =	shalt  }
0x69: {  	_ =	shalt  }
0x6a: {  	_ =	shalt  }
0x6b: {  	_ =	shalt  }
0x6c: {  	_ =	shalt  }
0x6d: {  	_ =	shalt  }
0x6e: {  	_ =	shalt  }
0x6f: {  	_ =	shalt  }
0x70: {  	_ =	shalt  }
0x71: {  	_ =	shalt  }
0x72: {  	_ =	shalt  }
0x73: {  	_ =	shalt  }
0x74: {  	_ =	shalt  }
0x75: {  	_ =	shalt  }
0x76: {  	_ =	shalt  }
0x77: {  	_ =	shalt  }
0x78: {  	_ =	shalt  }
0x79: {  	_ =	shalt  }
0x7a: {  	_ =	shalt  }
0x7b: {  	_ =	shalt  }
0x7c: {  	_ =	shalt  }
0x7d: {  	_ =	shalt  }
0x7e: {  	_ =	shalt  }
0x7f: {  	_ =	shalt  }
0x80: {  	_ =	shalt  }
0x81: {  	_ =	shalt  }
0x82: {  	_ =	shalt  }
0x83: {  	_ =	shalt  }
0x84: {  	_ =	shalt  }
0x85: {  	_ =	shalt  }
0x86: {  	_ =	shalt  }
0x87: {  	_ =	shalt  }
.Lfunc_end0:
.L_simem_size_0:
called_computation.3_lowered:
.L_overlay_start_0:
0x88: {  	s2 =	sld [smem:$0x3FD9]  }
0x89: {  	s3 =	sld [smem:$0x3FFE];
	_ =	sdelay $0x1  }
0x8a: {  	s1 =	srdreg.scid  }
0x8b: {  	s0 =	sand.u32 $0x1, s1  }
0x8c: {  	s14 =	sshll.u32 s0, $0xA;
	s2 =	sadd.s32 s3, s2  }
0x8d: {  	s2 =	sadd.s32 s2, s14  }
0x8e: {  	[smem:$0x3FC0] =	sst s2  }
0x8f: {  	_ = 	snop  }
0x90: {  	s2 =	sld [smem:$0x3FD0];
	_ =	sdelay $0x2  }
0x91: {  	s15 =	simm.s32 $0xA;
	s4 =	simm.s32 $0x10  }
0x92: {  	[smem:s4], [sflag:s15] =	dma.local [hbm:s2], $0x1  }
0x93: {  	_ =	swait.eq [sflag:s15], $0x1  }
0x94: {  	[sflag:s15] =	ssyncset.done $0x0  }
0x95: {  	[sflag:s15] =	ssyncadd.s32 $0xFFFFFFFF  }
0x96: {  	s16 =	sld [smem:$0x10];
	(tm) =	ssettm $0x1  }
0x97: {  	s17 =	sld [smem:$0x3FFB];
	_ =	sdelay $0x3  }
0x98: {  	_ =	strace s17  }
0x99: {  	s3 =	sld [smem:$0x3FFC];
	_ =	sdelay $0x3  }
0x9a: {  	_ =	strace s3  }
0x9b: {  	s3 =	sld [smem:$0x3FFD];
	_ =	sdelay $0x3  }
0x9c: {  	_ =	strace s3  }
0x9d: {  	_ =	strace $0x8FFFFFFF  }
0x9e: {  	s18 =	sld [smem:$0x3FDB];
	_ =	sdelay $0x1  }
0x9f: {  	s19 =	simm.s32 $_scs_section_size  }
0xa0: {  	s5 =	simm.s32 $_size__tile_overlayer_lowered;
	s6 =	simm.s32 $_tile_overlayer_lowered  }
0xa1: {  	s22 =	simm.s32 $0x1BFF;
	s21 =	sshll.u32 s6, $0x1;
	s3 =	sadd.s32 s19, s18  }
0xa2: {  	s7 =	simm.s32 $0x0;
	s20 =	sshll.u32 s5, $0x1;
	s5 =	sadd.s32 s21, s3  }
0xa3: {  	[timem:s7], [sflag:s22] =	dma.local [hbm:s5], s20  }
0xa4: {  	_ =	swait.ge [sflag:s22], s20  }
0xa5: {  	s4 =	ssub.s32 $0x0, s20;
	[sflag:s22] =	ssyncset.done $0x0  }
0xa6: {  	[sflag:s22] =	ssyncadd.s32 s4;
	_ =	sdelay $0x1  }
0xa7: {  	s23 =	simm.s32 $0x1B8B  }
0xa8: {  	_ =	swait.ge [sflag:s23], $0x1  }
0xa9: {  	[sflag:s23] =	ssyncset.done $0x0  }
0xaa: {  	s25 =	simm.s32 $0x1B8E;
	s24 =	sld [smem:$0x3FFE];
	[sflag:s23] =	ssyncadd.s32 $0xFFFFFFFF  }
0xab: {  	s26 =	simm.s32 $execute0_lowered;
	[smem:$0x3FD2] =	sst s25  }
0xac: {  	s5 =	sshll.u32 s26, $0x1;
	_ =	strace $0x8000004F;
	[dreg:$0x1] =	wrdreg $0xFFFFFFFF  }
0xad: {  	s28 =	simm.s32 $_size_execute0_lowered;
	s3 =	sadd.s32 s3, s5;
	[dreg:$0x0] =	wrdreg $0x0  }
0xae: {  	s5 =	sshll.u32 s28, $0x1;
	[dreg:$0x2] =	wrdreg s3  }
0xaf: {  	[dreg:$0x3] =	wrdreg s5  }
0xb0: {  	[dreg:$0x4] =	wrdreg $0xC0  }
0xb1: {  	_ =	task [dreg:s7], $0x5FFFF  }
0xb2: {  	[dreg:$0x1] =	wrdreg $0xFFFFFFFF  }
0xb3: {  	[dreg:$0x0] =	wrdreg $0x60  }
0xb4: {  	[dreg:$0x2] =	wrdreg s16  }
0xb5: {  	[dreg:$0x3] =	wrdreg s24  }
0xb6: {  	[dreg:$0x4] =	wrdreg $0x5C200  }
0xb7: {  	[dreg:$0x5] =	wrdreg $0x9  }
0xb8: {  	_ =	task.clear_ibuf [dreg:s7], $0x6FFFF;
	_ =	strace $0x9000004F  }
0xb9: {  	s29 =	simm.s32 $0x9;
	_ =	strace $0x80000051  }
0xba: {  	_ =	swait.ge [sflag:s29], $0x1  }
0xbb: {  	[sflag:s29] =	ssyncadd.s32 $0xFFFFFFFF  }
0xbc: {  	_ =	strace $0x90000051  }
0xbd: {  	_ =	sfence  }
0xbe: {  	s30 =	sld [smem:$0x0];
	_ =	sdelay $0x2  }
0xbf: {  	s31 =	sshll.u32 s1, $0xD;
	s1 =	sshrl.u32 s1, $0x2  }
0xc0: {  	s3 =	sand.u32 $0x4000, s31;
	s1 =	sadd.s32 s1, s30  }
0xc1: {  	s0 =	sor.u32 s3, s0;
	s1 =	sshll.u32 s1, $0x11  }
0xc2: {  	s0 =	sor.u32 s1, s0  }
0xc3: {  	s0 =	sadd.s32 $0x8F2B, s0  }
0xc4: {  	[sflag:s0] =	ssyncadd.remote.s32 $0x1  }
0xc5: {  	_ =	sfence.sel $0xFFFF  }
0xc6: {  	[dreg:$0x0] =	wrdreg $0xFFFFFFFF;
	(pc) =	sbr.abs _section_cstart, $3  }
0xc7: {  	[dreg:$0x1] =	wrdreg $0xFFFFFFFF  }
0xc8: {  	_ =	task.clear_ibuf [dreg:s7], $0x2FFFF;
	_ =	strace $0x9FFFFFFF  }
0xc9: {  	(tm) =	ssettm $0x7FFFFFFF  }
tec
execute0_lowered:
.L_overlay_start_1:
0x0: {  	(tag) =	ssettag $0x1  }
0x1: {  	s2 =	rddreg [dreg:$0x0]  }
0x2: {  	s1 =	srdreg.scid;
	s7 =	rddreg [dreg:$0x1]  }
0x3: {  	s0 =	stileid.u32;
	s3 =	rddreg [dreg:$0x2]  }
0x4: {  	s4 =	simm.s32 $0x0;
	s14 =	simm.s32 $0x2710;
	s15 =	simm.s32 $0x68  }
0x5: {  	s16 =	simm.s32 $0x4E20;
	s17 =	simm.s32 $0x54A0;
	s18 =	simm.s32 $0x10  }
0x6: {  	s19 =	simm.s32 $0x2700;
	s20 =	simm.s32 $0x5B20;
	s21 =	simm.s32 $0x4  }
0x7: {  	s22 =	simm.s32 $0x1;
	s23 =	simm.s32 $0x2;
	s24 =	simm.s32 $0x4D40  }
0x8: {  	s25 =	simm.s32 $0x4DA8;
	s26 =	simm.s32 $0x3;
	s28 =	simm.s32 $0x4E10  }
0x9: {  	s29 =	simm.s32 $0x0;
	s6 =	sand.u32 $0x1, s1;
	s30 =	sshll.u32 s0, $0x1  }
0xa: {  	s8 =	smul.u32 $0x2800, s0;
	[smem:$0x7FF] =	sst s4;
	s1 =	sor.u32 s6, s30  }
0xb: {  	s9 =	smul.u32 $0x28000, s6;
	_ =	strace $0x80000050;
	s11 =	ssub.s32 $0x2, s6  }
0xc: {  	s6 =	sshll.u32 s0, $0x6;
	s5 =	smul.u32 $0x2710, s1;
	s31 =	sshrl.u32 s11, $0x1  }
0xd: {  	s13 =	sadd.s32 s8, s3;
	s9 =	sadd.s32 s8, s9;
	s11 =	ssub.s32 s11, s31  }
0xe: {  	s5 =	sshrl.u32 s5, $0x3;
	s9 =	sshrl.u32 s9, $0x3;
	s11 =	smax.u32 s11, $0x1  }
0xf: {  	s10 =	sadd.s32 s5, s7;
	s5 =	sadd.s32 $0x16E00, s7;
	s12 =	sadd.s32 s9, s7  }
0x10: {  	s7 =	sor.u32 $0x1C04, s6;
	s8 =	sadd.s32 $0x3400, s10;
	s9 =	sadd.s32 $0xD040, s10  }
0x11: {  	s10 =	sadd.s32 $0x17400, s12;
	s12 =	sshrl.u32 s13, $0x3;
	s13 =	simm.s32 $0x5  }
.LBB2_1:
0x12: {  	[spmem:s12], [sflag:s7] =	dma.local [hbm:s5], $0x500  }
0x13: {  	[tilespmem:s4], [sflag:$0x5] =	stream.linear.gather [hbm4b:s8+s4], $0x2710, $0x38;
	[tilespmem:$0x8420] =	vst v63  }
0x14: {  	_ =	swait.ge [sflag:s13], $0x2710  }
0x15: {  	[sflag:s13] =	ssyncset.done $0x0  }
0x16: {  	[sflag:s13] =	ssyncadd.s32 $0xFFFFD8F0  }
0x17: {  	[tilespmem:s14], [sflag:$0x5] =	stream.linear.gather [hbm4b:s9+s4], $0x2710, $0x38;
	[tilespmem:$0x8420] =	vst v63  }
0x18: {  	_ =	swait.ge [sflag:s13], $0x2710  }
0x19: {  	[sflag:s13] =	ssyncset.done $0x0  }
0x1a: {  	[sflag:s13] =	ssyncadd.s32 $0xFFFFD8F0  }
0x1b: {  	[tilespmem:s16], [sflag:$0x1] =	stream.indirect.gather [hbm4b:s2+s15], $0x10, s4, s15, $0xb8;
	[tilespmem:$0x8420] =	vst v63  }
0x1c: {  	_ = 	snop  }
0x1d: {  	[tilespmem:s17], [sflag:$0x2] =	stream.indirect.gather [hbm4b:s2+s15], $0x10, s15, s15, $0xb8;
	[tilespmem:$0x8420] =	vst v63  }
0x1e: {  	_ = 	snop  }
0x1f: {  	[tilespmem:s20], [sflag:$0x3] =	stream.indirect.gather [hbm4b:s2+s18], $0x10, s19, s18, $0xb8;
	[tilespmem:$0x8420] =	vst v63  }
0x20: {  	_ =	swait.ge [sflag:s21], $0x500  }
0x21: {  	[sflag:s21] =	ssyncset.done $0x0  }
0x22: {  	[sflag:s21] =	ssyncadd.s32 $0xFFFFFB00  }
0x23: {  	[bflag:$0x0] =	sbarrier.arrive $0xFFFF  }
0x24: {  	_ =	swait.ge [sflag:s22], $0x680  }
0x25: {  	[sflag:s22] =	ssyncset.done $0x0  }
0x26: {  	s30 =	simm.s32 $0x2710;
	[sflag:s22] =	ssyncadd.s32 $0xFFFFF980  }
0x27: {  	[spmem:s3] =	stream.indirect.scatter.add.f32 [tilespmem:s16], [sflag:$0x5], $0x10, s30, s15, $0xb8;
	[tilespmem:$0x8420] =	vst v63  }
0x28: {  	_ =	swait.ge [sflag:s13], $0x680  }
0x29: {  	[sflag:s13] =	ssyncset.done $0x0  }
0x2a: {  	s30 =	simm.s32 $0xD0;
	[sflag:s13] =	ssyncadd.s32 $0xFFFFF980  }
0x2b: {  	[tilespmem:s16], [sflag:$0x1] =	stream.indirect.gather [hbm4b:s2+s15], $0x10, s30, s15, $0xb8;
	[tilespmem:$0x8420] =	vst v63  }
0x2c: {  	_ =	swait.ge [sflag:s23], $0x680  }
0x2d: {  	[sflag:s23] =	ssyncset.done $0x0  }
0x2e: {  	s30 =	simm.s32 $0x2778;
	[sflag:s23] =	ssyncadd.s32 $0xFFFFF980  }
0x2f: {  	[spmem:s3] =	stream.indirect.scatter.add.f32 [tilespmem:s17], [sflag:$0x5], $0x10, s30, s15, $0xb8;
	[tilespmem:$0x8420] =	vst v63  }
0x30: {  	_ =	swait.ge [sflag:s13], $0x680  }
0x31: {  	[sflag:s13] =	ssyncset.done $0x0  }
0x32: {  	s31 =	simm.s32 $0x138;
	s30 =	simm.s32 $0x340;
	[sflag:s13] =	ssyncadd.s32 $0xFFFFF980  }
.LBB2_2:
0x33: {  	[tilespmem:s17], [sflag:$0x2] =	stream.indirect.gather [hbm4b:s2+s15], $0x10, s31, s15, $0xb8;
	[tilespmem:$0x8420] =	vst v63  }
0x34: {  	s31 =	smov.u32 s30  }
0x35: {  	p0 =	sne.s32 s30, $0x9580;
	s30 =	sadd.s32 $0x340, s30;
	_ =	swait.ge [sflag:s22], $0x680  }
0x36: {  	s31 =	sshra.s32 s31, $0x2;
	[sflag:s22] =	ssyncset.done $0x0  }
0x37: {  	s1 =	sadd.s32 $0x2710, s31;
	[sflag:s22] =	ssyncadd.s32 $0xFFFFF980  }
0x38: {  	[spmem:s3] =	stream.indirect.scatter.add.f32 [tilespmem:s16], [sflag:$0x5], $0x10, s1, s15, $0xb8;
	[tilespmem:$0x8420] =	vst v63  }
0x39: {  	_ =	swait.ge [sflag:s13], $0x680  }
0x3a: {  	[sflag:s13] =	ssyncset.done $0x0  }
0x3b: {  	s1 =	sadd.s32 $0xD0, s31;
	[sflag:s13] =	ssyncadd.s32 $0xFFFFF980  }
0x3c: {  	[tilespmem:s16], [sflag:$0x1] =	stream.indirect.gather [hbm4b:s2+s15], $0x10, s1, s15, $0xb8;
	[tilespmem:$0x8420] =	vst v63  }
0x3d: {  	_ =	swait.ge [sflag:s23], $0x680  }
0x3e: {  	[sflag:s23] =	ssyncset.done $0x0  }
.Ltmp0:
0x3f: {  	s1 =	sadd.s32 $0x2778, s31;
	[sflag:s23] =	ssyncadd.s32 $0xFFFFF980;
	(pc) =	sbr.rel @p0 .LBB2_2-.Ltmp0, $4  }
0x40: {  	[spmem:s3] =	stream.indirect.scatter.add.f32 [tilespmem:s17], [sflag:$0x5], $0x10, s1, s15, $0xb8;
	[tilespmem:$0x8420] =	vst v63  }
0x41: {  	_ =	swait.ge [sflag:s13], $0x680  }
0x42: {  	[sflag:s13] =	ssyncset.done $0x0  }
0x43: {  	s31 =	sadd.s32 $0x138, s31;
	[sflag:s13] =	ssyncadd.s32 $0xFFFFF980  }
0x44: {  	[tilespmem:s17], [sflag:$0x2] =	stream.indirect.gather [hbm4b:s2+s15], $0x10, s31, s15, $0xb8;
	[tilespmem:$0x8420] =	vst v63  }
0x45: {  	_ =	swait.ge [sflag:s22], $0x680  }
0x46: {  	[sflag:s22] =	ssyncset.done $0x0  }
0x47: {  	[sflag:s22] =	ssyncadd.s32 $0xFFFFF980  }
0x48: {  	[spmem:s3] =	stream.indirect.scatter.add.f32 [tilespmem:s16], [sflag:$0x5], $0x10, s24, s15, $0xb8;
	[tilespmem:$0x8420] =	vst v63  }
0x49: {  	_ =	swait.ge [sflag:s13], $0x680  }
0x4a: {  	[sflag:s13] =	ssyncset.done $0x0  }
0x4b: {  	[sflag:s13] =	ssyncadd.s32 $0xFFFFF980  }
0x4c: {  	_ =	swait.ge [sflag:s23], $0x680  }
0x4d: {  	[sflag:s23] =	ssyncset.done $0x0  }
0x4e: {  	[sflag:s23] =	ssyncadd.s32 $0xFFFFF980  }
0x4f: {  	[spmem:s3] =	stream.indirect.scatter.add.f32 [tilespmem:s17], [sflag:$0x5], $0x10, s25, s15, $0xb8;
	[tilespmem:$0x8420] =	vst v63  }
0x50: {  	_ =	swait.ge [sflag:s13], $0x680  }
0x51: {  	[sflag:s13] =	ssyncset.done $0x0  }
0x52: {  	[sflag:s13] =	ssyncadd.s32 $0xFFFFF980  }
0x53: {  	_ =	swait.ge [sflag:s26], $0x100  }
0x54: {  	[sflag:s26] =	ssyncset.done $0x0  }
0x55: {  	[sflag:s26] =	ssyncadd.s32 $0xFFFFFF00  }
0x56: {  	[spmem:s3] =	stream.indirect.scatter.add.f32 [tilespmem:s20], [sflag:$0x5], $0x10, s28, s18, $0xb8;
	[tilespmem:$0x8420] =	vst v63  }
0x57: {  	_ =	swait.ge [sflag:s13], $0x100  }
0x58: {  	s29 =	sadd.s32 $0x1, s29;
	[sflag:s13] =	ssyncset.done $0x0  }
0x59: {  	p0 =	sne.s32 s29, s11;
	[sflag:s13] =	ssyncadd.s32 $0xFFFFFF00  }
.Ltmp1:
0x5a: {  	s1 =	sor.u32 $0x1C05, s6;
	[bflag:$0x0] =	sbarrier.arrive $0xFFFF;
	(pc) =	sbr.rel @p0 .LBB2_1-.Ltmp1, $4  }
0x5b: {  	[hbm:s10], [sflag:s1] =	dma.local [spmem:s12], $0x500  }
0x5c: {  	_ =	swait.ge [sflag:s13], $0x500  }
0x5d: {  	[sflag:s13] =	ssyncset.done $0x0  }
0x5e: {  	[sflag:s13] =	ssyncadd.s32 $0xFFFFFB00  }
0x5f: {  	_ =	sfence.sel $0x180000  }
0x60: {  	[bflag:$0x0] =	sbarrier.arrive $0xFFFF  }
0x61: {  	_ =	strace $0x90000050  }
0x62: {  	[bflag:$0x2] =	sbarrier.arrive $0xFFFF  }
0x63: {  	p0 =	sne.s32 s0, $0x0;
	s0 =	rddreg [dreg:$0x3]  }
0x64: {  	s0 =	sadd.s32 @!p0 $0x100000, s0  }
0x65: {  	[sflag:s0] =	ssyncadd.tile.s32 @!p0 $0x1;
	_ =	shalt  }
.Lfunc_end2:
_tile_overlayer_lowered:
.L_overlay_start_2:
0x66: {  	(tag) =	ssettag $0x2  }
0x67: {  	s0 =	rddreg [dreg:$0x0];
	s2 =	stileid.u32  }
0x68: {  	s1 =	rddreg [dreg:$0x1];
	p0 =	sne.s32 s2, $0x0  }
0x69: {  	s3 =	rddreg [dreg:$0x2];
	[bflag:$0x3] =	sbarrier.arrive $0xFFFF;
	s2 =	simm.s32 @!p0 $0x1C05  }
0x6a: {  	[timem:s3], [sflag:s2] =	dma.local @!p0 [hbm:s0], s1  }
0x6b: {  	s0 =	simm.s32 @!p0 $0x5  }
0x6c: {  	_ =	swait.ge @!p0 [sflag:s0], s1  }
0x6d: {  	s1 =	ssub.s32 @!p0 $0x0, s1;
	[sflag:s0] =	ssyncset.done @!p0 $0x0  }
0x6e: {  	[sflag:s0] =	ssyncadd.s32 @!p0 s1  }
0x6f: {  	[bflag:$0x3] =	sbarrier.arrive $0xFFFF  }
0x70: {  	_ =	shalt  }

</sc_bundles>
